<compile_context>
chip_gen: v7x
topology: tpu7x:2x2x1
jax: 0.10.2.dev20260603
libtpu: 0.0.44.dev20260713+nightly
codegen_flags: <defaults>
</compile_context>

<pallas_src>
import functools
import math

import jax
import jax.numpy as jnp
from jax import lax
from jax.experimental import pallas as pl
from jax.experimental.pallas import tpu as pltpu
from jax.experimental.pallas import tpu_sc as plsc

D_MODEL = 64
SCALE = math.sqrt(D_MODEL)
CHUNK = 128
NBUF = 4


@functools.lru_cache(maxsize=None)
def _make_sc_lookup(V: int, N: int, D: int):
    info = plsc.get_sparse_core_info()
    NC, NS, LN = info.num_cores, info.num_subcores, info.num_lanes
    NW = NC * NS
    assert N % (NW * CHUNK) == 0 and D % LN == 0
    n_chunks = N // (NW * CHUNK)
    assert n_chunks % NBUF == 0

    mesh = plsc.VectorSubcoreMesh(core_axis_name="c", subcore_axis_name="s")

    @functools.partial(
        pl.kernel,
        mesh=mesh,
        out_type=jax.ShapeDtypeStruct((N, 2 * D), jnp.float32),
        scratch_types=[
            pltpu.VMEM((n_chunks, CHUNK), jnp.int32),
            pltpu.VMEM((NBUF, CHUNK, D), jnp.float32),
        ]
        + [pltpu.SemaphoreType.DMA] * (2 * NBUF),
        compiler_params=pltpu.CompilerParams(
            use_tc_tiling_on_sc=False, needs_layout_passes=False
        ),
    )
    def lookup(xf_hbm, tp_hbm, out_hbm, idx_v, gbuf, *sems):
        gsems = sems[:NBUF]
        ssems = sems[NBUF:]
        wid = lax.axis_index("s") * NC + lax.axis_index("c")
        chunk0 = wid * n_chunks
        row0 = chunk0 * CHUNK
        pltpu.sync_copy(xf_hbm.at[pl.ds(chunk0, n_chunks)], idx_v)

        LAG = 2
        for b in range(LAG):
            pltpu.async_copy(tp_hbm.at[idx_v.at[b]], gbuf.at[b], gsems[b])

        def outer(r, carry):
            g0 = r * NBUF
            for b in range(NBUF):
                j = g0 + b
                pltpu.make_async_copy(
                    tp_hbm.at[idx_v.at[j]], gbuf.at[b], gsems[b]
                ).wait()

                def scale_row(r2, c2):
                    for g in range(D // LN):
                        sl = pl.ds(g * LN, LN)
                        gbuf[b, r2, sl] = gbuf[b, r2, sl] * SCALE
                    return c2

                lax.fori_loop(0, CHUNK, scale_row, 0, unroll=4)

                pltpu.async_copy(
                    gbuf.at[b],
                    out_hbm.at[pl.ds(row0 + j * CHUNK, CHUNK), pl.ds(0, D)],
                    ssems[b],
                )

                bf = (b + LAG) % NBUF

                def _wait_store():
                    pltpu.make_async_copy(
                        gbuf.at[bf],
                        out_hbm.at[pl.ds(row0, CHUNK), pl.ds(0, D)],
                        ssems[bf],
                    ).wait()

                if b >= NBUF - LAG:
                    _wait_store()
                else:
                    pl.when(r > 0)(_wait_store)

                @pl.when(j + LAG < n_chunks)
                def _refill():
                    pltpu.async_copy(
                        tp_hbm.at[idx_v.at[j + LAG]], gbuf.at[bf], gsems[bf]
                    )
            return carry

        lax.fori_loop(0, n_chunks // NBUF, outer, 0)

        for j in range(n_chunks - LAG, n_chunks):
            b = j % NBUF
            pltpu.make_async_copy(
                gbuf.at[b],
                out_hbm.at[pl.ds(row0, CHUNK), pl.ds(0, D)],
                ssems[b],
            ).wait()

    return lookup


def kernel(x, table):
    B, L = x.shape
    V, D = table.shape
    N = B * L
    xf = x.reshape(N // CHUNK, CHUNK).astype(jnp.int32)
    o = _make_sc_lookup(V, N, D)(xf, table)
    return o[:, :D].reshape(B, L, D)

# --- scband reference (transcript-rebuilt; emitter-appended) ---
"""Pipeline reference for scband-input-embeddings-6760278524046 (READ-ONLY COPY).

The authoritative reference and input builder live on the scoring server;
editing this copy changes nothing except your own understanding.
"""

import jax, jax.numpy as jnp
import numpy as np
import math

D_MODEL = 64
VOCAB = 1000000
B = 4096
L = 200

def setup_inputs(seed: int = 0) -> dict:
    key = jax.random.key(seed)
    k1, k2 = jax.random.split(key)
    x = jax.random.randint(k1, (B, L), 0, VOCAB, dtype=jnp.int64) if jax.config.jax_enable_x64 else jax.random.randint(k1, (B, L), 0, VOCAB, dtype=jnp.int32)
    table = jax.random.normal(k2, (VOCAB, D_MODEL), dtype=jnp.float32)
    return {"x": x, "table": table}

def reference(x, table):
    # InputEmbeddings.forward: embedding(x) * sqrt(d_model)
    emb = jnp.take(table, x, axis=0)
    return emb * math.sqrt(D_MODEL)

if __name__ == "__main__":
    import jax
    _d = setup_inputs()
    print(jax.jit(kernel)(*tuple(_d.values())))

</pallas_src>

<mosaic_0001>
#map = affine_map<(d0, d1) -> (0, 0)>
module attributes {stable_mosaic.version = 14 : i64} {
  func.func @lookup(%arg0: i32, %arg1: i32, %arg2: memref<6400x128xi32, #tpu.memory_space<hbm>>, %arg3: memref<1000000x64xf32, #tpu.memory_space<hbm>>, %arg4: memref<819200x128xf32, #tpu.memory_space<hbm>>, %arg5: memref<200x128xi32, #tpu.memory_space<vmem>>, %arg6: memref<4x128x64xf32, #tpu.memory_space<vmem>>, %arg7: memref<!tpu.dma_semaphore, #tpu.memory_space<semaphore_mem>>, %arg8: memref<!tpu.dma_semaphore, #tpu.memory_space<semaphore_mem>>, %arg9: memref<!tpu.dma_semaphore, #tpu.memory_space<semaphore_mem>>, %arg10: memref<!tpu.dma_semaphore, #tpu.memory_space<semaphore_mem>>, %arg11: memref<!tpu.dma_semaphore, #tpu.memory_space<semaphore_mem>>, %arg12: memref<!tpu.dma_semaphore, #tpu.memory_space<semaphore_mem>>, %arg13: memref<!tpu.dma_semaphore, #tpu.memory_space<semaphore_mem>>, %arg14: memref<!tpu.dma_semaphore, #tpu.memory_space<semaphore_mem>>) attributes {dimension_semantics = [#tpu.dimension_semantics<core_parallel>, #tpu.dimension_semantics<subcore_parallel>], iteration_bounds = array<i64: 2, 16>, scalar_prefetch = 0 : i64, scratch_operands = 10 : i64, tpu.core_type = #tpu.core_type<sc_vector_subcore>, window_params = [{transform_indices = #map}, {transform_indices = #map}, {transform_indices = #map}]} {
    %mul3A = arith.constant 2 : i32
    %mul3A_0 = arith.muli %arg1, %mul3A : i32
    %add3A = arith.addi %mul3A_0, %arg0 : i32
    %mul3A_1 = arith.constant 200 : i32
    %mul3A_2 = arith.muli %add3A, %mul3A_1 : i32
    %mul3A_3 = arith.constant 128 : i32
    %mul3A_4 = arith.muli %mul3A_2, %mul3A_3 : i32
    "tpu.region"() ({
      %run_scoped3A = tpu.sem_alloc : memref<!tpu.dma_semaphore, #tpu.memory_space<semaphore_mem>>
      %dma_start3A_58 = arith.constant 0 : i32
      %dma_start3A_59 = tpu.memref_slice %arg2[%mul3A_2, %dma_start3A_58] : memref<6400x128xi32, #tpu.memory_space<hbm>> -> memref<200x128xi32, #tpu.memory_space<hbm>>
      %dma_start3A_60 = arith.constant 0 : i32
      %dma_start3A_61 = tpu.memref_slice %arg2[%mul3A_2, %dma_start3A_60] : memref<6400x128xi32, #tpu.memory_space<hbm>> -> memref<200x128xi32, #tpu.memory_space<hbm>>
      tpu.enqueue_dma source(%dma_start3A_61 : memref<200x128xi32, #tpu.memory_space<hbm>>) target(%arg5 : memref<200x128xi32, #tpu.memory_space<vmem>>) target_semaphore(%run_scoped3A : memref<!tpu.dma_semaphore, #tpu.memory_space<semaphore_mem>>)
      %dma_wait3A_62 = arith.constant 0 : i32
      %dma_wait3A_63 = tpu.memref_slice %arg2[%mul3A_2, %dma_wait3A_62] : memref<6400x128xi32, #tpu.memory_space<hbm>> -> memref<200x128xi32, #tpu.memory_space<hbm>>
      %dma_wait3A_64 = arith.constant 0 : i32
      %dma_wait3A_65 = tpu.memref_slice %arg2[%mul3A_2, %dma_wait3A_64] : memref<6400x128xi32, #tpu.memory_space<hbm>> -> memref<200x128xi32, #tpu.memory_space<hbm>>
      tpu.wait_dma2 semaphore(%run_scoped3A : memref<!tpu.dma_semaphore, #tpu.memory_space<semaphore_mem>>) src(%dma_wait3A_65 : memref<200x128xi32, #tpu.memory_space<hbm>>) dst(%arg5 : memref<200x128xi32, #tpu.memory_space<vmem>>)
      tpu.yield
    }) : () -> ()
    %dma_start3A = arith.constant 0 : i32
    %dma_start3A_5 = arith.constant 0 : i32
    %dma_start3A_6 = arith.constant 0 : i32
    %dma_start3A_7 = arith.constant 0 : i32
    %dma_start3A_8 = tpu.memref_slice %arg6[%dma_start3A_5, %dma_start3A_6, %dma_start3A_7] : memref<4x128x64xf32, #tpu.memory_space<vmem>> -> memref<1x128x64xf32, #tpu.memory_space<vmem>>
    %dma_start3A_9 = tpu.memref_squeeze %dma_start3A_8 : memref<1x128x64xf32, #tpu.memory_space<vmem>> -> memref<128x64xf32, #tpu.memory_space<vmem>>
    %dma_start3A_10 = arith.constant 0 : i32
    %dma_start3A_11 = tpu.memref_slice %arg5[%dma_start3A, %dma_start3A_10] : memref<200x128xi32, #tpu.memory_space<vmem>> -> memref<1x128xi32, #tpu.memory_space<vmem>>
    %dma_start3A_12 = tpu.memref_squeeze %dma_start3A_11 : memref<1x128xi32, #tpu.memory_space<vmem>> -> memref<128xi32, #tpu.memory_space<vmem>>
    %dma_start3A_13 = arith.constant 0 : i32
    %dma_start3A_14 = arith.constant 0 : i32
    %dma_start3A_15 = tpu.memref_slice %arg3[%dma_start3A_13, %dma_start3A_14] : memref<1000000x64xf32, #tpu.memory_space<hbm>> -> memref<1000000x64xf32, #tpu.memory_space<hbm>>
    tpu.enqueue_indirect_dma source(%dma_start3A_15 : memref<1000000x64xf32, #tpu.memory_space<hbm>>) target(%dma_start3A_9 : memref<128x64xf32, #tpu.memory_space<vmem>>) offsets(%dma_start3A_12 : memref<128xi32, #tpu.memory_space<vmem>>) semaphore(%arg7 : memref<!tpu.dma_semaphore, #tpu.memory_space<semaphore_mem>>)
    %dma_start3A_16 = arith.constant 1 : i32
    %dma_start3A_17 = arith.constant 1 : i32
    %dma_start3A_18 = arith.constant 0 : i32
    %dma_start3A_19 = arith.constant 0 : i32
    %dma_start3A_20 = tpu.memref_slice %arg6[%dma_start3A_17, %dma_start3A_18, %dma_start3A_19] : memref<4x128x64xf32, #tpu.memory_space<vmem>> -> memref<1x128x64xf32, #tpu.memory_space<vmem>>
    %dma_start3A_21 = tpu.memref_squeeze %dma_start3A_20 : memref<1x128x64xf32, #tpu.memory_space<vmem>> -> memref<128x64xf32, #tpu.memory_space<vmem>>
    %dma_start3A_22 = arith.constant 0 : i32
    %dma_start3A_23 = tpu.memref_slice %arg5[%dma_start3A_16, %dma_start3A_22] : memref<200x128xi32, #tpu.memory_space<vmem>> -> memref<1x128xi32, #tpu.memory_space<vmem>>
    %dma_start3A_24 = tpu.memref_squeeze %dma_start3A_23 : memref<1x128xi32, #tpu.memory_space<vmem>> -> memref<128xi32, #tpu.memory_space<vmem>>
    %dma_start3A_25 = arith.constant 0 : i32
    %dma_start3A_26 = arith.constant 0 : i32
    %dma_start3A_27 = tpu.memref_slice %arg3[%dma_start3A_25, %dma_start3A_26] : memref<1000000x64xf32, #tpu.memory_space<hbm>> -> memref<1000000x64xf32, #tpu.memory_space<hbm>>
    tpu.enqueue_indirect_dma source(%dma_start3A_27 : memref<1000000x64xf32, #tpu.memory_space<hbm>>) target(%dma_start3A_21 : memref<128x64xf32, #tpu.memory_space<vmem>>) offsets(%dma_start3A_24 : memref<128xi32, #tpu.memory_space<vmem>>) semaphore(%arg8 : memref<!tpu.dma_semaphore, #tpu.memory_space<semaphore_mem>>)
    %scan3A = arith.constant 0 : i32
    %scan3A_28 = arith.constant 0 : i32
    %scan3A_29 = arith.constant 50 : i32
    %scan3A_30 = arith.addi %scan3A_28, %scan3A_29 : i32
    %scan3A_31 = arith.constant 1 : i32
    scf.for %scan3A_58 = %scan3A_28 to %scan3A_30 step %scan3A_31  : i32 {
      %mul3A_59 = arith.constant 4 : i32
      %mul3A_60 = arith.muli %scan3A_58, %mul3A_59 : i32
      %add3A_61 = arith.constant 0 : i32
      %add3A_62 = arith.addi %mul3A_60, %add3A_61 : i32
      %dma_wait3A_63 = arith.constant 0 : i32
      %dma_wait3A_64 = arith.constant 0 : i32
      %dma_wait3A_65 = arith.constant 0 : i32
      %dma_wait3A_66 = tpu.memref_slice %arg6[%dma_wait3A_63, %dma_wait3A_64, %dma_wait3A_65] : memref<4x128x64xf32, #tpu.memory_space<vmem>> -> memref<1x128x64xf32, #tpu.memory_space<vmem>>
      %dma_wait3A_67 = tpu.memref_squeeze %dma_wait3A_66 : memref<1x128x64xf32, #tpu.memory_space<vmem>> -> memref<128x64xf32, #tpu.memory_space<vmem>>
      %dma_wait3A_68 = arith.constant 0 : i32
      %dma_wait3A_69 = tpu.memref_slice %arg5[%add3A_62, %dma_wait3A_68] : memref<200x128xi32, #tpu.memory_space<vmem>> -> memref<1x128xi32, #tpu.memory_space<vmem>>
      %dma_wait3A_70 = tpu.memref_squeeze %dma_wait3A_69 : memref<1x128xi32, #tpu.memory_space<vmem>> -> memref<128xi32, #tpu.memory_space<vmem>>
      %dma_wait3A_71 = arith.constant 0 : i32
      %dma_wait3A_72 = arith.constant 0 : i32
      %dma_wait3A_73 = tpu.memref_slice %arg3[%dma_wait3A_71, %dma_wait3A_72] : memref<1000000x64xf32, #tpu.memory_space<hbm>> -> memref<1000000x64xf32, #tpu.memory_space<hbm>>
      tpu.wait_indirect_dma semaphore(%arg7 : memref<!tpu.dma_semaphore, #tpu.memory_space<semaphore_mem>>) src(%dma_wait3A_73 : memref<1000000x64xf32, #tpu.memory_space<hbm>>) dst(%dma_wait3A_67 : memref<128x64xf32, #tpu.memory_space<vmem>>)
      %scan3A_74 = arith.constant 0 : i32
      %scan3A_75 = arith.constant 0 : i32
      %scan3A_76 = arith.constant 128 : i32
      %scan3A_77 = arith.addi %scan3A_75, %scan3A_76 : i32
      %scan3A_78 = arith.constant 4 : i32
      scf.for %scan3A_261 = %scan3A_75 to %scan3A_77 step %scan3A_78  : i32 {
        %get3A = arith.constant 0 : i32
        %get3A_262 = arith.index_cast %get3A : i32 to index
        %get3A_263 = arith.index_cast %scan3A_261 : i32 to index
        %get3A_264 = arith.constant 0 : index
        %get3A_265 = tpu.vector_load %arg6[%get3A_262, %get3A_263, %get3A_264] {strides = array<i32>} : memref<4x128x64xf32, #tpu.memory_space<vmem>>, vector<16xf32>,
        %mul3A_266 = arith.constant 8.000000e+00 : f32
        %mul3A_267 = vector.broadcast %mul3A_266 : f32 to vector<16xf32>
        %mul3A_268 = arith.mulf %get3A_265, %mul3A_267 : vector<16xf32>
        %swap3A = arith.constant 0 : i32
        %swap3A_269 = arith.index_cast %swap3A : i32 to index
        %swap3A_270 = arith.index_cast %scan3A_261 : i32 to index
        %swap3A_271 = arith.constant 0 : index
        %swap3A_272 = tpu.vector_load %arg6[%swap3A_269, %swap3A_270, %swap3A_271] {strides = array<i32>} : memref<4x128x64xf32, #tpu.memory_space<vmem>>, vector<16xf32>,
        tpu.vector_store %arg6[%swap3A_269, %swap3A_270, %swap3A_271], %mul3A_268 {strides = array<i32>} : memref<4x128x64xf32, #tpu.memory_space<vmem>>, vector<16xf32>,
        %get3A_273 = arith.constant 0 : i32
        %get3A_274 = arith.index_cast %get3A_273 : i32 to index
        %get3A_275 = arith.index_cast %scan3A_261 : i32 to index
        %get3A_276 = arith.constant 16 : index
        %get3A_277 = tpu.vector_load %arg6[%get3A_274, %get3A_275, %get3A_276] {strides = array<i32>} : memref<4x128x64xf32, #tpu.memory_space<vmem>>, vector<16xf32>,
        %mul3A_278 = arith.constant 8.000000e+00 : f32
        %mul3A_279 = vector.broadcast %mul3A_278 : f32 to vector<16xf32>
        %mul3A_280 = arith.mulf %get3A_277, %mul3A_279 : vector<16xf32>
        %swap3A_281 = arith.constant 0 : i32
        %swap3A_282 = arith.index_cast %swap3A_281 : i32 to index
        %swap3A_283 = arith.index_cast %scan3A_261 : i32 to index
        %swap3A_284 = arith.constant 16 : index
        %swap3A_285 = tpu.vector_load %arg6[%swap3A_282, %swap3A_283, %swap3A_284] {strides = array<i32>} : memref<4x128x64xf32, #tpu.memory_space<vmem>>, vector<16xf32>,
        tpu.vector_store %arg6[%swap3A_282, %swap3A_283, %swap3A_284], %mul3A_280 {strides = array<i32>} : memref<4x128x64xf32, #tpu.memory_space<vmem>>, vector<16xf32>,
        %get3A_286 = arith.constant 0 : i32
        %get3A_287 = arith.index_cast %get3A_286 : i32 to index
        %get3A_288 = arith.index_cast %scan3A_261 : i32 to index
        %get3A_289 = arith.constant 32 : index
        %get3A_290 = tpu.vector_load %arg6[%get3A_287, %get3A_288, %get3A_289] {strides = array<i32>} : memref<4x128x64xf32, #tpu.memory_space<vmem>>, vector<16xf32>,
        %mul3A_291 = arith.constant 8.000000e+00 : f32
        %mul3A_292 = vector.broadcast %mul3A_291 : f32 to vector<16xf32>
        %mul3A_293 = arith.mulf %get3A_290, %mul3A_292 : vector<16xf32>
        %swap3A_294 = arith.constant 0 : i32
        %swap3A_295 = arith.index_cast %swap3A_294 : i32 to index
        %swap3A_296 = arith.index_cast %scan3A_261 : i32 to index
        %swap3A_297 = arith.constant 32 : index
        %swap3A_298 = tpu.vector_load %arg6[%swap3A_295, %swap3A_296, %swap3A_297] {strides = array<i32>} : memref<4x128x64xf32, #tpu.memory_space<vmem>>, vector<16xf32>,
        tpu.vector_store %arg6[%swap3A_295, %swap3A_296, %swap3A_297], %mul3A_293 {strides = array<i32>} : memref<4x128x64xf32, #tpu.memory_space<vmem>>, vector<16xf32>,
        %get3A_299 = arith.constant 0 : i32
        %get3A_300 = arith.index_cast %get3A_299 : i32 to index
        %get3A_301 = arith.index_cast %scan3A_261 : i32 to index
        %get3A_302 = arith.constant 48 : index
        %get3A_303 = tpu.vector_load %arg6[%get3A_300, %get3A_301, %get3A_302] {strides = array<i32>} : memref<4x128x64xf32, #tpu.memory_space<vmem>>, vector<16xf32>,
        %mul3A_304 = arith.constant 8.000000e+00 : f32
        %mul3A_305 = vector.broadcast %mul3A_304 : f32 to vector<16xf32>
        %mul3A_306 = arith.mulf %get3A_303, %mul3A_305 : vector<16xf32>
        %swap3A_307 = arith.constant 0 : i32
        %swap3A_308 = arith.index_cast %swap3A_307 : i32 to index
        %swap3A_309 = arith.index_cast %scan3A_261 : i32 to index
        %swap3A_310 = arith.constant 48 : index
        %swap3A_311 = tpu.vector_load %arg6[%swap3A_308, %swap3A_309, %swap3A_310] {strides = array<i32>} : memref<4x128x64xf32, #tpu.memory_space<vmem>>, vector<16xf32>,
        tpu.vector_store %arg6[%swap3A_308, %swap3A_309, %swap3A_310], %mul3A_306 {strides = array<i32>} : memref<4x128x64xf32, #tpu.memory_space<vmem>>, vector<16xf32>,
        %scan3A_312 = arith.constant 1 : i32
        %scan3A_313 = arith.addi %scan3A_261, %scan3A_312 : i32
        %get3A_314 = arith.constant 0 : i32
        %get3A_315 = arith.index_cast %get3A_314 : i32 to index
        %get3A_316 = arith.index_cast %scan3A_313 : i32 to index
        %get3A_317 = arith.constant 0 : index
        %get3A_318 = tpu.vector_load %arg6[%get3A_315, %get3A_316, %get3A_317] {strides = array<i32>} : memref<4x128x64xf32, #tpu.memory_space<vmem>>, vector<16xf32>,
        %mul3A_319 = arith.constant 8.000000e+00 : f32
        %mul3A_320 = vector.broadcast %mul3A_319 : f32 to vector<16xf32>
        %mul3A_321 = arith.mulf %get3A_318, %mul3A_320 : vector<16xf32>
        %swap3A_322 = arith.constant 0 : i32
        %swap3A_323 = arith.index_cast %swap3A_322 : i32 to index
        %swap3A_324 = arith.index_cast %scan3A_313 : i32 to index
        %swap3A_325 = arith.constant 0 : index
        %swap3A_326 = tpu.vector_load %arg6[%swap3A_323, %swap3A_324, %swap3A_325] {strides = array<i32>} : memref<4x128x64xf32, #tpu.memory_space<vmem>>, vector<16xf32>,
        tpu.vector_store %arg6[%swap3A_323, %swap3A_324, %swap3A_325], %mul3A_321 {strides = array<i32>} : memref<4x128x64xf32, #tpu.memory_space<vmem>>, vector<16xf32>,
        %get3A_327 = arith.constant 0 : i32
        %get3A_328 = arith.index_cast %get3A_327 : i32 to index
        %get3A_329 = arith.index_cast %scan3A_313 : i32 to index
        %get3A_330 = arith.constant 16 : index
        %get3A_331 = tpu.vector_load %arg6[%get3A_328, %get3A_329, %get3A_330] {strides = array<i32>} : memref<4x128x64xf32, #tpu.memory_space<vmem>>, vector<16xf32>,
        %mul3A_332 = arith.constant 8.000000e+00 : f32
        %mul3A_333 = vector.broadcast %mul3A_332 : f32 to vector<16xf32>
        %mul3A_334 = arith.mulf %get3A_331, %mul3A_333 : vector<16xf32>
        %swap3A_335 = arith.constant 0 : i32
        %swap3A_336 = arith.index_cast %swap3A_335 : i32 to index
        %swap3A_337 = arith.index_cast %scan3A_313 : i32 to index
        %swap3A_338 = arith.constant 16 : index
        %swap3A_339 = tpu.vector_load %arg6[%swap3A_336, %swap3A_337, %swap3A_338] {strides = array<i32>} : memref<4x128x64xf32, #tpu.memory_space<vmem>>, vector<16xf32>,
        tpu.vector_store %arg6[%swap3A_336, %swap3A_337, %swap3A_338], %mul3A_334 {strides = array<i32>} : memref<4x128x64xf32, #tpu.memory_space<vmem>>, vector<16xf32>,
        %get3A_340 = arith.constant 0 : i32
        %get3A_341 = arith.index_cast %get3A_340 : i32 to index
        %get3A_342 = arith.index_cast %scan3A_313 : i32 to index
        %get3A_343 = arith.constant 32 : index
        %get3A_344 = tpu.vector_load %arg6[%get3A_341, %get3A_342, %get3A_343] {strides = array<i32>} : memref<4x128x64xf32, #tpu.memory_space<vmem>>, vector<16xf32>,
        %mul3A_345 = arith.constant 8.000000e+00 : f32
        %mul3A_346 = vector.broadcast %mul3A_345 : f32 to vector<16xf32>
        %mul3A_347 = arith.mulf %get3A_344, %mul3A_346 : vector<16xf32>
        %swap3A_348 = arith.constant 0 : i32
        %swap3A_349 = arith.index_cast %swap3A_348 : i32 to index
        %swap3A_350 = arith.index_cast %scan3A_313 : i32 to index
        %swap3A_351 = arith.constant 32 : index
        %swap3A_352 = tpu.vector_load %arg6[%swap3A_349, %swap3A_350, %swap3A_351] {strides = array<i32>} : memref<4x128x64xf32, #tpu.memory_space<vmem>>, vector<16xf32>,
        tpu.vector_store %arg6[%swap3A_349, %swap3A_350, %swap3A_351], %mul3A_347 {strides = array<i32>} : memref<4x128x64xf32, #tpu.memory_space<vmem>>, vector<16xf32>,
        %get3A_353 = arith.constant 0 : i32
        %get3A_354 = arith.index_cast %get3A_353 : i32 to index
        %get3A_355 = arith.index_cast %scan3A_313 : i32 to index
        %get3A_356 = arith.constant 48 : index
        %get3A_357 = tpu.vector_load %arg6[%get3A_354, %get3A_355, %get3A_356] {strides = array<i32>} : memref<4x128x64xf32, #tpu.memory_space<vmem>>, vector<16xf32>,
        %mul3A_358 = arith.constant 8.000000e+00 : f32
        %mul3A_359 = vector.broadcast %mul3A_358 : f32 to vector<16xf32>
        %mul3A_360 = arith.mulf %get3A_357, %mul3A_359 : vector<16xf32>
        %swap3A_361 = arith.constant 0 : i32
        %swap3A_362 = arith.index_cast %swap3A_361 : i32 to index
        %swap3A_363 = arith.index_cast %scan3A_313 : i32 to index
        %swap3A_364 = arith.constant 48 : index
        %swap3A_365 = tpu.vector_load %arg6[%swap3A_362, %swap3A_363, %swap3A_364] {strides = array<i32>} : memref<4x128x64xf32, #tpu.memory_space<vmem>>, vector<16xf32>,
        tpu.vector_store %arg6[%swap3A_362, %swap3A_363, %swap3A_364], %mul3A_360 {strides = array<i32>} : memref<4x128x64xf32, #tpu.memory_space<vmem>>, vector<16xf32>,
        %scan3A_366 = arith.constant 2 : i32
        %scan3A_367 = arith.addi %scan3A_261, %scan3A_366 : i32
        %get3A_368 = arith.constant 0 : i32
        %get3A_369 = arith.index_cast %get3A_368 : i32 to index
        %get3A_370 = arith.index_cast %scan3A_367 : i32 to index
        %get3A_371 = arith.constant 0 : index
        %get3A_372 = tpu.vector_load %arg6[%get3A_369, %get3A_370, %get3A_371] {strides = array<i32>} : memref<4x128x64xf32, #tpu.memory_space<vmem>>, vector<16xf32>,
        %mul3A_373 = arith.constant 8.000000e+00 : f32
        %mul3A_374 = vector.broadcast %mul3A_373 : f32 to vector<16xf32>
        %mul3A_375 = arith.mulf %get3A_372, %mul3A_374 : vector<16xf32>
        %swap3A_376 = arith.constant 0 : i32
        %swap3A_377 = arith.index_cast %swap3A_376 : i32 to index
        %swap3A_378 = arith.index_cast %scan3A_367 : i32 to index
        %swap3A_379 = arith.constant 0 : index
        %swap3A_380 = tpu.vector_load %arg6[%swap3A_377, %swap3A_378, %swap3A_379] {strides = array<i32>} : memref<4x128x64xf32, #tpu.memory_space<vmem>>, vector<16xf32>,
        tpu.vector_store %arg6[%swap3A_377, %swap3A_378, %swap3A_379], %mul3A_375 {strides = array<i32>} : memref<4x128x64xf32, #tpu.memory_space<vmem>>, vector<16xf32>,
        %get3A_381 = arith.constant 0 : i32
        %get3A_382 = arith.index_cast %get3A_381 : i32 to index
        %get3A_383 = arith.index_cast %scan3A_367 : i32 to index
        %get3A_384 = arith.constant 16 : index
        %get3A_385 = tpu.vector_load %arg6[%get3A_382, %get3A_383, %get3A_384] {strides = array<i32>} : memref<4x128x64xf32, #tpu.memory_space<vmem>>, vector<16xf32>,
        %mul3A_386 = arith.constant 8.000000e+00 : f32
        %mul3A_387 = vector.broadcast %mul3A_386 : f32 to vector<16xf32>
        %mul3A_388 = arith.mulf %get3A_385, %mul3A_387 : vector<16xf32>
        %swap3A_389 = arith.constant 0 : i32
        %swap3A_390 = arith.index_cast %swap3A_389 : i32 to index
        %swap3A_391 = arith.index_cast %scan3A_367 : i32 to index
        %swap3A_392 = arith.constant 16 : index
        %swap3A_393 = tpu.vector_load %arg6[%swap3A_390, %swap3A_391, %swap3A_392] {strides = array<i32>} : memref<4x128x64xf32, #tpu.memory_space<vmem>>, vector<16xf32>,
        tpu.vector_store %arg6[%swap3A_390, %swap3A_391, %swap3A_392], %mul3A_388 {strides = array<i32>} : memref<4x128x64xf32, #tpu.memory_space<vmem>>, vector<16xf32>,
        %get3A_394 = arith.constant 0 : i32
        %get3A_395 = arith.index_cast %get3A_394 : i32 to index
        %get3A_396 = arith.index_cast %scan3A_367 : i32 to index
        %get3A_397 = arith.constant 32 : index
        %get3A_398 = tpu.vector_load %arg6[%get3A_395, %get3A_396, %get3A_397] {strides = array<i32>} : memref<4x128x64xf32, #tpu.memory_space<vmem>>, vector<16xf32>,
        %mul3A_399 = arith.constant 8.000000e+00 : f32
        %mul3A_400 = vector.broadcast %mul3A_399 : f32 to vector<16xf32>
        %mul3A_401 = arith.mulf %get3A_398, %mul3A_400 : vector<16xf32>
        %swap3A_402 = arith.constant 0 : i32
        %swap3A_403 = arith.index_cast %swap3A_402 : i32 to index
        %swap3A_404 = arith.index_cast %scan3A_367 : i32 to index
        %swap3A_405 = arith.constant 32 : index
        %swap3A_406 = tpu.vector_load %arg6[%swap3A_403, %swap3A_404, %swap3A_405] {strides = array<i32>} : memref<4x128x64xf32, #tpu.memory_space<vmem>>, vector<16xf32>,
        tpu.vector_store %arg6[%swap3A_403, %swap3A_404, %swap3A_405], %mul3A_401 {strides = array<i32>} : memref<4x128x64xf32, #tpu.memory_space<vmem>>, vector<16xf32>,
        %get3A_407 = arith.constant 0 : i32
        %get3A_408 = arith.index_cast %get3A_407 : i32 to index
        %get3A_409 = arith.index_cast %scan3A_367 : i32 to index
        %get3A_410 = arith.constant 48 : index
        %get3A_411 = tpu.vector_load %arg6[%get3A_408, %get3A_409, %get3A_410] {strides = array<i32>} : memref<4x128x64xf32, #tpu.memory_space<vmem>>, vector<16xf32>,
        %mul3A_412 = arith.constant 8.000000e+00 : f32
        %mul3A_413 = vector.broadcast %mul3A_412 : f32 to vector<16xf32>
        %mul3A_414 = arith.mulf %get3A_411, %mul3A_413 : vector<16xf32>
        %swap3A_415 = arith.constant 0 : i32
        %swap3A_416 = arith.index_cast %swap3A_415 : i32 to index
        %swap3A_417 = arith.index_cast %scan3A_367 : i32 to index
        %swap3A_418 = arith.constant 48 : index
        %swap3A_419 = tpu.vector_load %arg6[%swap3A_416, %swap3A_417, %swap3A_418] {strides = array<i32>} : memref<4x128x64xf32, #tpu.memory_space<vmem>>, vector<16xf32>,
        tpu.vector_store %arg6[%swap3A_416, %swap3A_417, %swap3A_418], %mul3A_414 {strides = array<i32>} : memref<4x128x64xf32, #tpu.memory_space<vmem>>, vector<16xf32>,
        %scan3A_420 = arith.constant 3 : i32
        %scan3A_421 = arith.addi %scan3A_261, %scan3A_420 : i32
        %get3A_422 = arith.constant 0 : i32
        %get3A_423 = arith.index_cast %get3A_422 : i32 to index
        %get3A_424 = arith.index_cast %scan3A_421 : i32 to index
        %get3A_425 = arith.constant 0 : index
        %get3A_426 = tpu.vector_load %arg6[%get3A_423, %get3A_424, %get3A_425] {strides = array<i32>} : memref<4x128x64xf32, #tpu.memory_space<vmem>>, vector<16xf32>,
        %mul3A_427 = arith.constant 8.000000e+00 : f32
        %mul3A_428 = vector.broadcast %mul3A_427 : f32 to vector<16xf32>
        %mul3A_429 = arith.mulf %get3A_426, %mul3A_428 : vector<16xf32>
        %swap3A_430 = arith.constant 0 : i32
        %swap3A_431 = arith.index_cast %swap3A_430 : i32 to index
        %swap3A_432 = arith.index_cast %scan3A_421 : i32 to index
        %swap3A_433 = arith.constant 0 : index
        %swap3A_434 = tpu.vector_load %arg6[%swap3A_431, %swap3A_432, %swap3A_433] {strides = array<i32>} : memref<4x128x64xf32, #tpu.memory_space<vmem>>, vector<16xf32>,
        tpu.vector_store %arg6[%swap3A_431, %swap3A_432, %swap3A_433], %mul3A_429 {strides = array<i32>} : memref<4x128x64xf32, #tpu.memory_space<vmem>>, vector<16xf32>,
        %get3A_435 = arith.constant 0 : i32
        %get3A_436 = arith.index_cast %get3A_435 : i32 to index
        %get3A_437 = arith.index_cast %scan3A_421 : i32 to index
        %get3A_438 = arith.constant 16 : index
        %get3A_439 = tpu.vector_load %arg6[%get3A_436, %get3A_437, %get3A_438] {strides = array<i32>} : memref<4x128x64xf32, #tpu.memory_space<vmem>>, vector<16xf32>,
        %mul3A_440 = arith.constant 8.000000e+00 : f32
        %mul3A_441 = vector.broadcast %mul3A_440 : f32 to vector<16xf32>
        %mul3A_442 = arith.mulf %get3A_439, %mul3A_441 : vector<16xf32>
        %swap3A_443 = arith.constant 0 : i32
        %swap3A_444 = arith.index_cast %swap3A_443 : i32 to index
        %swap3A_445 = arith.index_cast %scan3A_421 : i32 to index
        %swap3A_446 = arith.constant 16 : index
        %swap3A_447 = tpu.vector_load %arg6[%swap3A_444, %swap3A_445, %swap3A_446] {strides = array<i32>} : memref<4x128x64xf32, #tpu.memory_space<vmem>>, vector<16xf32>,
        tpu.vector_store %arg6[%swap3A_444, %swap3A_445, %swap3A_446], %mul3A_442 {strides = array<i32>} : memref<4x128x64xf32, #tpu.memory_space<vmem>>, vector<16xf32>,
        %get3A_448 = arith.constant 0 : i32
        %get3A_449 = arith.index_cast %get3A_448 : i32 to index
        %get3A_450 = arith.index_cast %scan3A_421 : i32 to index
        %get3A_451 = arith.constant 32 : index
        %get3A_452 = tpu.vector_load %arg6[%get3A_449, %get3A_450, %get3A_451] {strides = array<i32>} : memref<4x128x64xf32, #tpu.memory_space<vmem>>, vector<16xf32>,
        %mul3A_453 = arith.constant 8.000000e+00 : f32
        %mul3A_454 = vector.broadcast %mul3A_453 : f32 to vector<16xf32>
        %mul3A_455 = arith.mulf %get3A_452, %mul3A_454 : vector<16xf32>
        %swap3A_456 = arith.constant 0 : i32
        %swap3A_457 = arith.index_cast %swap3A_456 : i32 to index
        %swap3A_458 = arith.index_cast %scan3A_421 : i32 to index
        %swap3A_459 = arith.constant 32 : index
        %swap3A_460 = tpu.vector_load %arg6[%swap3A_457, %swap3A_458, %swap3A_459] {strides = array<i32>} : memref<4x128x64xf32, #tpu.memory_space<vmem>>, vector<16xf32>,
        tpu.vector_store %arg6[%swap3A_457, %swap3A_458, %swap3A_459], %mul3A_455 {strides = array<i32>} : memref<4x128x64xf32, #tpu.memory_space<vmem>>, vector<16xf32>,
        %get3A_461 = arith.constant 0 : i32
        %get3A_462 = arith.index_cast %get3A_461 : i32 to index
        %get3A_463 = arith.index_cast %scan3A_421 : i32 to index
        %get3A_464 = arith.constant 48 : index
        %get3A_465 = tpu.vector_load %arg6[%get3A_462, %get3A_463, %get3A_464] {strides = array<i32>} : memref<4x128x64xf32, #tpu.memory_space<vmem>>, vector<16xf32>,
        %mul3A_466 = arith.constant 8.000000e+00 : f32
        %mul3A_467 = vector.broadcast %mul3A_466 : f32 to vector<16xf32>
        %mul3A_468 = arith.mulf %get3A_465, %mul3A_467 : vector<16xf32>
        %swap3A_469 = arith.constant 0 : i32
        %swap3A_470 = arith.index_cast %swap3A_469 : i32 to index
        %swap3A_471 = arith.index_cast %scan3A_421 : i32 to index
        %swap3A_472 = arith.constant 48 : index
        %swap3A_473 = tpu.vector_load %arg6[%swap3A_470, %swap3A_471, %swap3A_472] {strides = array<i32>} : memref<4x128x64xf32, #tpu.memory_space<vmem>>, vector<16xf32>,
        tpu.vector_store %arg6[%swap3A_470, %swap3A_471, %swap3A_472], %mul3A_468 {strides = array<i32>} : memref<4x128x64xf32, #tpu.memory_space<vmem>>, vector<16xf32>,
      }
      %scan3A_79 = arith.constant 128 : i32
      %mul3A_80 = arith.constant 128 : i32
      %mul3A_81 = arith.muli %add3A_62, %mul3A_80 : i32
      %add3A_82 = arith.addi %mul3A_4, %mul3A_81 : i32
      %dma_start3A_83 = arith.constant 0 : i32
      %dma_start3A_84 = arith.constant 0 : i32
      %dma_start3A_85 = arith.constant 0 : i32
      %dma_start3A_86 = tpu.memref_slice %arg6[%dma_start3A_83, %dma_start3A_84, %dma_start3A_85] : memref<4x128x64xf32, #tpu.memory_space<vmem>> -> memref<1x128x64xf32, #tpu.memory_space<vmem>>
      %dma_start3A_87 = tpu.memref_squeeze %dma_start3A_86 : memref<1x128x64xf32, #tpu.memory_space<vmem>> -> memref<128x64xf32, #tpu.memory_space<vmem>>
      %dma_start3A_88 = arith.constant 0 : i32
      %dma_start3A_89 = tpu.memref_slice %arg4[%add3A_82, %dma_start3A_88] : memref<819200x128xf32, #tpu.memory_space<hbm>> -> memref<128x64xf32, #tpu.memory_space<hbm>>
      %dma_start3A_90 = arith.constant 0 : i32
      %dma_start3A_91 = tpu.memref_slice %arg4[%add3A_82, %dma_start3A_90] : memref<819200x128xf32, #tpu.memory_space<hbm>> -> memref<128x64xf32, #tpu.memory_space<hbm>>
      %dma_start3A_92 = arith.constant 0 : i32
      %dma_start3A_93 = arith.constant 0 : i32
      %dma_start3A_94 = tpu.memref_slice %arg6[%dma_start3A_83, %dma_start3A_92, %dma_start3A_93] : memref<4x128x64xf32, #tpu.memory_space<vmem>> -> memref<1x128x64xf32, #tpu.memory_space<vmem>>
      %dma_start3A_95 = tpu.memref_squeeze %dma_start3A_94 : memref<1x128x64xf32, #tpu.memory_space<vmem>> -> memref<128x64xf32, #tpu.memory_space<vmem>>
      tpu.enqueue_dma source(%dma_start3A_95 : memref<128x64xf32, #tpu.memory_space<vmem>>) target(%dma_start3A_91 : memref<128x64xf32, #tpu.memory_space<hbm>>) target_semaphore(%arg11 : memref<!tpu.dma_semaphore, #tpu.memory_space<semaphore_mem>>)
      %gt3A = arith.constant 0 : i32
      %gt3A_96 = arith.cmpi sgt, %scan3A_58, %gt3A : i32
      %convert_element_type3A = arith.extui %gt3A_96 : i1 to i32
      %cond3A = arith.constant 0 : i32
      %cond3A_97 = arith.cmpi ne, %convert_element_type3A, %cond3A : i32
      scf.if %cond3A_97 {
        %dma_wait3A_261 = arith.constant 2 : i32
        %dma_wait3A_262 = arith.constant 0 : i32
        %dma_wait3A_263 = arith.constant 0 : i32
        %dma_wait3A_264 = tpu.memref_slice %arg6[%dma_wait3A_261, %dma_wait3A_262, %dma_wait3A_263] : memref<4x128x64xf32, #tpu.memory_space<vmem>> -> memref<1x128x64xf32, #tpu.memory_space<vmem>>
        %dma_wait3A_265 = tpu.memref_squeeze %dma_wait3A_264 : memref<1x128x64xf32, #tpu.memory_space<vmem>> -> memref<128x64xf32, #tpu.memory_space<vmem>>
        %dma_wait3A_266 = arith.constant 0 : i32
        %dma_wait3A_267 = tpu.memref_slice %arg4[%mul3A_4, %dma_wait3A_266] : memref<819200x128xf32, #tpu.memory_space<hbm>> -> memref<128x64xf32, #tpu.memory_space<hbm>>
        %dma_wait3A_268 = arith.constant 0 : i32
        %dma_wait3A_269 = tpu.memref_slice %arg4[%mul3A_4, %dma_wait3A_268] : memref<819200x128xf32, #tpu.memory_space<hbm>> -> memref<128x64xf32, #tpu.memory_space<hbm>>
        %dma_wait3A_270 = arith.constant 0 : i32
        %dma_wait3A_271 = arith.constant 0 : i32
        %dma_wait3A_272 = tpu.memref_slice %arg6[%dma_wait3A_261, %dma_wait3A_270, %dma_wait3A_271] : memref<4x128x64xf32, #tpu.memory_space<vmem>> -> memref<1x128x64xf32, #tpu.memory_space<vmem>>
        %dma_wait3A_273 = tpu.memref_squeeze %dma_wait3A_272 : memref<1x128x64xf32, #tpu.memory_space<vmem>> -> memref<128x64xf32, #tpu.memory_space<vmem>>
        tpu.wait_dma2 semaphore(%arg13 : memref<!tpu.dma_semaphore, #tpu.memory_space<semaphore_mem>>) src(%dma_wait3A_273 : memref<128x64xf32, #tpu.memory_space<vmem>>) dst(%dma_wait3A_269 : memref<128x64xf32, #tpu.memory_space<hbm>>)
      } else {
      }
      %add3A_98 = arith.constant 2 : i32
      %add3A_99 = arith.addi %add3A_62, %add3A_98 : i32
      %lt3A = arith.constant 200 : i32
      %lt3A_100 = arith.cmpi slt, %add3A_99, %lt3A : i32
      %convert_element_type3A_101 = arith.extui %lt3A_100 : i1 to i32
      %cond3A_102 = arith.constant 0 : i32
      %cond3A_103 = arith.cmpi ne, %convert_element_type3A_101, %cond3A_102 : i32
      scf.if %cond3A_103 {
        %add3A_261 = arith.constant 2 : i32
        %add3A_262 = arith.addi %add3A_62, %add3A_261 : i32
        %dma_start3A_263 = arith.constant 2 : i32
        %dma_start3A_264 = arith.constant 0 : i32
        %dma_start3A_265 = arith.constant 0 : i32
        %dma_start3A_266 = tpu.memref_slice %arg6[%dma_start3A_263, %dma_start3A_264, %dma_start3A_265] : memref<4x128x64xf32, #tpu.memory_space<vmem>> -> memref<1x128x64xf32, #tpu.memory_space<vmem>>
        %dma_start3A_267 = tpu.memref_squeeze %dma_start3A_266 : memref<1x128x64xf32, #tpu.memory_space<vmem>> -> memref<128x64xf32, #tpu.memory_space<vmem>>
        %dma_start3A_268 = arith.constant 0 : i32
        %dma_start3A_269 = tpu.memref_slice %arg5[%add3A_262, %dma_start3A_268] : memref<200x128xi32, #tpu.memory_space<vmem>> -> memref<1x128xi32, #tpu.memory_space<vmem>>
        %dma_start3A_270 = tpu.memref_squeeze %dma_start3A_269 : memref<1x128xi32, #tpu.memory_space<vmem>> -> memref<128xi32, #tpu.memory_space<vmem>>
        %dma_start3A_271 = arith.constant 0 : i32
        %dma_start3A_272 = arith.constant 0 : i32
        %dma_start3A_273 = tpu.memref_slice %arg3[%dma_start3A_271, %dma_start3A_272] : memref<1000000x64xf32, #tpu.memory_space<hbm>> -> memref<1000000x64xf32, #tpu.memory_space<hbm>>
        tpu.enqueue_indirect_dma source(%dma_start3A_273 : memref<1000000x64xf32, #tpu.memory_space<hbm>>) target(%dma_start3A_267 : memref<128x64xf32, #tpu.memory_space<vmem>>) offsets(%dma_start3A_270 : memref<128xi32, #tpu.memory_space<vmem>>) semaphore(%arg9 : memref<!tpu.dma_semaphore, #tpu.memory_space<semaphore_mem>>)
      } else {
      }
      %add3A_104 = arith.constant 1 : i32
      %add3A_105 = arith.addi %mul3A_60, %add3A_104 : i32
      %dma_wait3A_106 = arith.constant 1 : i32
      %dma_wait3A_107 = arith.constant 0 : i32
      %dma_wait3A_108 = arith.constant 0 : i32
      %dma_wait3A_109 = tpu.memref_slice %arg6[%dma_wait3A_106, %dma_wait3A_107, %dma_wait3A_108] : memref<4x128x64xf32, #tpu.memory_space<vmem>> -> memref<1x128x64xf32, #tpu.memory_space<vmem>>
      %dma_wait3A_110 = tpu.memref_squeeze %dma_wait3A_109 : memref<1x128x64xf32, #tpu.memory_space<vmem>> -> memref<128x64xf32, #tpu.memory_space<vmem>>
      %dma_wait3A_111 = arith.constant 0 : i32
      %dma_wait3A_112 = tpu.memref_slice %arg5[%add3A_105, %dma_wait3A_111] : memref<200x128xi32, #tpu.memory_space<vmem>> -> memref<1x128xi32, #tpu.memory_space<vmem>>
      %dma_wait3A_113 = tpu.memref_squeeze %dma_wait3A_112 : memref<1x128xi32, #tpu.memory_space<vmem>> -> memref<128xi32, #tpu.memory_space<vmem>>
      %dma_wait3A_114 = arith.constant 0 : i32
      %dma_wait3A_115 = arith.constant 0 : i32
      %dma_wait3A_116 = tpu.memref_slice %arg3[%dma_wait3A_114, %dma_wait3A_115] : memref<1000000x64xf32, #tpu.memory_space<hbm>> -> memref<1000000x64xf32, #tpu.memory_space<hbm>>
      tpu.wait_indirect_dma semaphore(%arg8 : memref<!tpu.dma_semaphore, #tpu.memory_space<semaphore_mem>>) src(%dma_wait3A_116 : memref<1000000x64xf32, #tpu.memory_space<hbm>>) dst(%dma_wait3A_110 : memref<128x64xf32, #tpu.memory_space<vmem>>)
      %scan3A_117 = arith.constant 0 : i32
      %scan3A_118 = arith.constant 0 : i32
      %scan3A_119 = arith.constant 128 : i32
      %scan3A_120 = arith.addi %scan3A_118, %scan3A_119 : i32
      %scan3A_121 = arith.constant 4 : i32
      scf.for %scan3A_261 = %scan3A_118 to %scan3A_120 step %scan3A_121  : i32 {
        %get3A = arith.constant 1 : i32
        %get3A_262 = arith.index_cast %get3A : i32 to index
        %get3A_263 = arith.index_cast %scan3A_261 : i32 to index
        %get3A_264 = arith.constant 0 : index
        %get3A_265 = tpu.vector_load %arg6[%get3A_262, %get3A_263, %get3A_264] {strides = array<i32>} : memref<4x128x64xf32, #tpu.memory_space<vmem>>, vector<16xf32>,
        %mul3A_266 = arith.constant 8.000000e+00 : f32
        %mul3A_267 = vector.broadcast %mul3A_266 : f32 to vector<16xf32>
        %mul3A_268 = arith.mulf %get3A_265, %mul3A_267 : vector<16xf32>
        %swap3A = arith.constant 1 : i32
        %swap3A_269 = arith.index_cast %swap3A : i32 to index
        %swap3A_270 = arith.index_cast %scan3A_261 : i32 to index
        %swap3A_271 = arith.constant 0 : index
        %swap3A_272 = tpu.vector_load %arg6[%swap3A_269, %swap3A_270, %swap3A_271] {strides = array<i32>} : memref<4x128x64xf32, #tpu.memory_space<vmem>>, vector<16xf32>,
        tpu.vector_store %arg6[%swap3A_269, %swap3A_270, %swap3A_271], %mul3A_268 {strides = array<i32>} : memref<4x128x64xf32, #tpu.memory_space<vmem>>, vector<16xf32>,
        %get3A_273 = arith.constant 1 : i32
        %get3A_274 = arith.index_cast %get3A_273 : i32 to index
        %get3A_275 = arith.index_cast %scan3A_261 : i32 to index
        %get3A_276 = arith.constant 16 : index
        %get3A_277 = tpu.vector_load %arg6[%get3A_274, %get3A_275, %get3A_276] {strides = array<i32>} : memref<4x128x64xf32, #tpu.memory_space<vmem>>, vector<16xf32>,
        %mul3A_278 = arith.constant 8.000000e+00 : f32
        %mul3A_279 = vector.broadcast %mul3A_278 : f32 to vector<16xf32>
        %mul3A_280 = arith.mulf %get3A_277, %mul3A_279 : vector<16xf32>
        %swap3A_281 = arith.constant 1 : i32
        %swap3A_282 = arith.index_cast %swap3A_281 : i32 to index
        %swap3A_283 = arith.index_cast %scan3A_261 : i32 to index
        %swap3A_284 = arith.constant 16 : index
        %swap3A_285 = tpu.vector_load %arg6[%swap3A_282, %swap3A_283, %swap3A_284] {strides = array<i32>} : memref<4x128x64xf32, #tpu.memory_space<vmem>>, vector<16xf32>,
        tpu.vector_store %arg6[%swap3A_282, %swap3A_283, %swap3A_284], %mul3A_280 {strides = array<i32>} : memref<4x128x64xf32, #tpu.memory_space<vmem>>, vector<16xf32>,
        %get3A_286 = arith.constant 1 : i32
        %get3A_287 = arith.index_cast %get3A_286 : i32 to index
        %get3A_288 = arith.index_cast %scan3A_261 : i32 to index
        %get3A_289 = arith.constant 32 : index
        %get3A_290 = tpu.vector_load %arg6[%get3A_287, %get3A_288, %get3A_289] {strides = array<i32>} : memref<4x128x64xf32, #tpu.memory_space<vmem>>, vector<16xf32>,
        %mul3A_291 = arith.constant 8.000000e+00 : f32
        %mul3A_292 = vector.broadcast %mul3A_291 : f32 to vector<16xf32>
        %mul3A_293 = arith.mulf %get3A_290, %mul3A_292 : vector<16xf32>
        %swap3A_294 = arith.constant 1 : i32
        %swap3A_295 = arith.index_cast %swap3A_294 : i32 to index
        %swap3A_296 = arith.index_cast %scan3A_261 : i32 to index
        %swap3A_297 = arith.constant 32 : index
        %swap3A_298 = tpu.vector_load %arg6[%swap3A_295, %swap3A_296, %swap3A_297] {strides = array<i32>} : memref<4x128x64xf32, #tpu.memory_space<vmem>>, vector<16xf32>,
        tpu.vector_store %arg6[%swap3A_295, %swap3A_296, %swap3A_297], %mul3A_293 {strides = array<i32>} : memref<4x128x64xf32, #tpu.memory_space<vmem>>, vector<16xf32>,
        %get3A_299 = arith.constant 1 : i32
        %get3A_300 = arith.index_cast %get3A_299 : i32 to index
        %get3A_301 = arith.index_cast %scan3A_261 : i32 to index
        %get3A_302 = arith.constant 48 : index
        %get3A_303 = tpu.vector_load %arg6[%get3A_300, %get3A_301, %get3A_302] {strides = array<i32>} : memref<4x128x64xf32, #tpu.memory_space<vmem>>, vector<16xf32>,
        %mul3A_304 = arith.constant 8.000000e+00 : f32
        %mul3A_305 = vector.broadcast %mul3A_304 : f32 to vector<16xf32>
        %mul3A_306 = arith.mulf %get3A_303, %mul3A_305 : vector<16xf32>
        %swap3A_307 = arith.constant 1 : i32
        %swap3A_308 = arith.index_cast %swap3A_307 : i32 to index
        %swap3A_309 = arith.index_cast %scan3A_261 : i32 to index
        %swap3A_310 = arith.constant 48 : index
        %swap3A_311 = tpu.vector_load %arg6[%swap3A_308, %swap3A_309, %swap3A_310] {strides = array<i32>} : memref<4x128x64xf32, #tpu.memory_space<vmem>>, vector<16xf32>,
        tpu.vector_store %arg6[%swap3A_308, %swap3A_309, %swap3A_310], %mul3A_306 {strides = array<i32>} : memref<4x128x64xf32, #tpu.memory_space<vmem>>, vector<16xf32>,
        %scan3A_312 = arith.constant 1 : i32
        %scan3A_313 = arith.addi %scan3A_261, %scan3A_312 : i32
        %get3A_314 = arith.constant 1 : i32
        %get3A_315 = arith.index_cast %get3A_314 : i32 to index
        %get3A_316 = arith.index_cast %scan3A_313 : i32 to index
        %get3A_317 = arith.constant 0 : index
        %get3A_318 = tpu.vector_load %arg6[%get3A_315, %get3A_316, %get3A_317] {strides = array<i32>} : memref<4x128x64xf32, #tpu.memory_space<vmem>>, vector<16xf32>,
        %mul3A_319 = arith.constant 8.000000e+00 : f32
        %mul3A_320 = vector.broadcast %mul3A_319 : f32 to vector<16xf32>
        %mul3A_321 = arith.mulf %get3A_318, %mul3A_320 : vector<16xf32>
        %swap3A_322 = arith.constant 1 : i32
        %swap3A_323 = arith.index_cast %swap3A_322 : i32 to index
        %swap3A_324 = arith.index_cast %scan3A_313 : i32 to index
        %swap3A_325 = arith.constant 0 : index
        %swap3A_326 = tpu.vector_load %arg6[%swap3A_323, %swap3A_324, %swap3A_325] {strides = array<i32>} : memref<4x128x64xf32, #tpu.memory_space<vmem>>, vector<16xf32>,
        tpu.vector_store %arg6[%swap3A_323, %swap3A_324, %swap3A_325], %mul3A_321 {strides = array<i32>} : memref<4x128x64xf32, #tpu.memory_space<vmem>>, vector<16xf32>,
        %get3A_327 = arith.constant 1 : i32
        %get3A_328 = arith.index_cast %get3A_327 : i32 to index
        %get3A_329 = arith.index_cast %scan3A_313 : i32 to index
        %get3A_330 = arith.constant 16 : index
        %get3A_331 = tpu.vector_load %arg6[%get3A_328, %get3A_329, %get3A_330] {strides = array<i32>} : memref<4x128x64xf32, #tpu.memory_space<vmem>>, vector<16xf32>,
        %mul3A_332 = arith.constant 8.000000e+00 : f32
        %mul3A_333 = vector.broadcast %mul3A_332 : f32 to vector<16xf32>
        %mul3A_334 = arith.mulf %get3A_331, %mul3A_333 : vector<16xf32>
        %swap3A_335 = arith.constant 1 : i32
        %swap3A_336 = arith.index_cast %swap3A_335 : i32 to index
        %swap3A_337 = arith.index_cast %scan3A_313 : i32 to index
        %swap3A_338 = arith.constant 16 : index
        %swap3A_339 = tpu.vector_load %arg6[%swap3A_336, %swap3A_337, %swap3A_338] {strides = array<i32>} : memref<4x128x64xf32, #tpu.memory_space<vmem>>, vector<16xf32>,
        tpu.vector_store %arg6[%swap3A_336, %swap3A_337, %swap3A_338], %mul3A_334 {strides = array<i32>} : memref<4x128x64xf32, #tpu.memory_space<vmem>>, vector<16xf32>,
        %get3A_340 = arith.constant 1 : i32
        %get3A_341 = arith.index_cast %get3A_340 : i32 to index
        %get3A_342 = arith.index_cast %scan3A_313 : i32 to index
        %get3A_343 = arith.constant 32 : index
        %get3A_344 = tpu.vector_load %arg6[%get3A_341, %get3A_342, %get3A_343] {strides = array<i32>} : memref<4x128x64xf32, #tpu.memory_space<vmem>>, vector<16xf32>,
        %mul3A_345 = arith.constant 8.000000e+00 : f32
        %mul3A_346 = vector.broadcast %mul3A_345 : f32 to vector<16xf32>
        %mul3A_347 = arith.mulf %get3A_344, %mul3A_346 : vector<16xf32>
        %swap3A_348 = arith.constant 1 : i32
        %swap3A_349 = arith.index_cast %swap3A_348 : i32 to index
        %swap3A_350 = arith.index_cast %scan3A_313 : i32 to index
        %swap3A_351 = arith.constant 32 : index
        %swap3A_352 = tpu.vector_load %arg6[%swap3A_349, %swap3A_350, %swap3A_351] {strides = array<i32>} : memref<4x128x64xf32, #tpu.memory_space<vmem>>, vector<16xf32>,
        tpu.vector_store %arg6[%swap3A_349, %swap3A_350, %swap3A_351], %mul3A_347 {strides = array<i32>} : memref<4x128x64xf32, #tpu.memory_space<vmem>>, vector<16xf32>,
        %get3A_353 = arith.constant 1 : i32
        %get3A_354 = arith.index_cast %get3A_353 : i32 to index
        %get3A_355 = arith.index_cast %scan3A_313 : i32 to index
        %get3A_356 = arith.constant 48 : index
        %get3A_357 = tpu.vector_load %arg6[%get3A_354, %get3A_355, %get3A_356] {strides = array<i32>} : memref<4x128x64xf32, #tpu.memory_space<vmem>>, vector<16xf32>,
        %mul3A_358 = arith.constant 8.000000e+00 : f32
        %mul3A_359 = vector.broadcast %mul3A_358 : f32 to vector<16xf32>
        %mul3A_360 = arith.mulf %get3A_357, %mul3A_359 : vector<16xf32>
        %swap3A_361 = arith.constant 1 : i32
        %swap3A_362 = arith.index_cast %swap3A_361 : i32 to index
        %swap3A_363 = arith.index_cast %scan3A_313 : i32 to index
        %swap3A_364 = arith.constant 48 : index
        %swap3A_365 = tpu.vector_load %arg6[%swap3A_362, %swap3A_363, %swap3A_364] {strides = array<i32>} : memref<4x128x64xf32, #tpu.memory_space<vmem>>, vector<16xf32>,
        tpu.vector_store %arg6[%swap3A_362, %swap3A_363, %swap3A_364], %mul3A_360 {strides = array<i32>} : memref<4x128x64xf32, #tpu.memory_space<vmem>>, vector<16xf32>,
        %scan3A_366 = arith.constant 2 : i32
        %scan3A_367 = arith.addi %scan3A_261, %scan3A_366 : i32
        %get3A_368 = arith.constant 1 : i32
        %get3A_369 = arith.index_cast %get3A_368 : i32 to index
        %get3A_370 = arith.index_cast %scan3A_367 : i32 to index
        %get3A_371 = arith.constant 0 : index
        %get3A_372 = tpu.vector_load %arg6[%get3A_369, %get3A_370, %get3A_371] {strides = array<i32>} : memref<4x128x64xf32, #tpu.memory_space<vmem>>, vector<16xf32>,
        %mul3A_373 = arith.constant 8.000000e+00 : f32
        %mul3A_374 = vector.broadcast %mul3A_373 : f32 to vector<16xf32>
        %mul3A_375 = arith.mulf %get3A_372, %mul3A_374 : vector<16xf32>
        %swap3A_376 = arith.constant 1 : i32
        %swap3A_377 = arith.index_cast %swap3A_376 : i32 to index
        %swap3A_378 = arith.index_cast %scan3A_367 : i32 to index
        %swap3A_379 = arith.constant 0 : index
        %swap3A_380 = tpu.vector_load %arg6[%swap3A_377, %swap3A_378, %swap3A_379] {strides = array<i32>} : memref<4x128x64xf32, #tpu.memory_space<vmem>>, vector<16xf32>,
        tpu.vector_store %arg6[%swap3A_377, %swap3A_378, %swap3A_379], %mul3A_375 {strides = array<i32>} : memref<4x128x64xf32, #tpu.memory_space<vmem>>, vector<16xf32>,
        %get3A_381 = arith.constant 1 : i32
        %get3A_382 = arith.index_cast %get3A_381 : i32 to index
        %get3A_383 = arith.index_cast %scan3A_367 : i32 to index
        %get3A_384 = arith.constant 16 : index
        %get3A_385 = tpu.vector_load %arg6[%get3A_382, %get3A_383, %get3A_384] {strides = array<i32>} : memref<4x128x64xf32, #tpu.memory_space<vmem>>, vector<16xf32>,
        %mul3A_386 = arith.constant 8.000000e+00 : f32
        %mul3A_387 = vector.broadcast %mul3A_386 : f32 to vector<16xf32>
        %mul3A_388 = arith.mulf %get3A_385, %mul3A_387 : vector<16xf32>
        %swap3A_389 = arith.constant 1 : i32
        %swap3A_390 = arith.index_cast %swap3A_389 : i32 to index
        %swap3A_391 = arith.index_cast %scan3A_367 : i32 to index
        %swap3A_392 = arith.constant 16 : index
        %swap3A_393 = tpu.vector_load %arg6[%swap3A_390, %swap3A_391, %swap3A_392] {strides = array<i32>} : memref<4x128x64xf32, #tpu.memory_space<vmem>>, vector<16xf32>,
        tpu.vector_store %arg6[%swap3A_390, %swap3A_391, %swap3A_392], %mul3A_388 {strides = array<i32>} : memref<4x128x64xf32, #tpu.memory_space<vmem>>, vector<16xf32>,
        %get3A_394 = arith.constant 1 : i32
        %get3A_395 = arith.index_cast %get3A_394 : i32 to index
        %get3A_396 = arith.index_cast %scan3A_367 : i32 to index
        %get3A_397 = arith.constant 32 : index
        %get3A_398 = tpu.vector_load %arg6[%get3A_395, %get3A_396, %get3A_397] {strides = array<i32>} : memref<4x128x64xf32, #tpu.memory_space<vmem>>, vector<16xf32>,
        %mul3A_399 = arith.constant 8.000000e+00 : f32
        %mul3A_400 = vector.broadcast %mul3A_399 : f32 to vector<16xf32>
        %mul3A_401 = arith.mulf %get3A_398, %mul3A_400 : vector<16xf32>
        %swap3A_402 = arith.constant 1 : i32
        %swap3A_403 = arith.index_cast %swap3A_402 : i32 to index
        %swap3A_404 = arith.index_cast %scan3A_367 : i32 to index
        %swap3A_405 = arith.constant 32 : index
        %swap3A_406 = tpu.vector_load %arg6[%swap3A_403, %swap3A_404, %swap3A_405] {strides = array<i32>} : memref<4x128x64xf32, #tpu.memory_space<vmem>>, vector<16xf32>,
        tpu.vector_store %arg6[%swap3A_403, %swap3A_404, %swap3A_405], %mul3A_401 {strides = array<i32>} : memref<4x128x64xf32, #tpu.memory_space<vmem>>, vector<16xf32>,
        %get3A_407 = arith.constant 1 : i32
        %get3A_408 = arith.index_cast %get3A_407 : i32 to index
        %get3A_409 = arith.index_cast %scan3A_367 : i32 to index
        %get3A_410 = arith.constant 48 : index
        %get3A_411 = tpu.vector_load %arg6[%get3A_408, %get3A_409, %get3A_410] {strides = array<i32>} : memref<4x128x64xf32, #tpu.memory_space<vmem>>, vector<16xf32>,
        %mul3A_412 = arith.constant 8.000000e+00 : f32
        %mul3A_413 = vector.broadcast %mul3A_412 : f32 to vector<16xf32>
        %mul3A_414 = arith.mulf %get3A_411, %mul3A_413 : vector<16xf32>
        %swap3A_415 = arith.constant 1 : i32
        %swap3A_416 = arith.index_cast %swap3A_415 : i32 to index
        %swap3A_417 = arith.index_cast %scan3A_367 : i32 to index
        %swap3A_418 = arith.constant 48 : index
        %swap3A_419 = tpu.vector_load %arg6[%swap3A_416, %swap3A_417, %swap3A_418] {strides = array<i32>} : memref<4x128x64xf32, #tpu.memory_space<vmem>>, vector<16xf32>,
        tpu.vector_store %arg6[%swap3A_416, %swap3A_417, %swap3A_418], %mul3A_414 {strides = array<i32>} : memref<4x128x64xf32, #tpu.memory_space<vmem>>, vector<16xf32>,
        %scan3A_420 = arith.constant 3 : i32
        %scan3A_421 = arith.addi %scan3A_261, %scan3A_420 : i32
        %get3A_422 = arith.constant 1 : i32
        %get3A_423 = arith.index_cast %get3A_422 : i32 to index
        %get3A_424 = arith.index_cast %scan3A_421 : i32 to index
        %get3A_425 = arith.constant 0 : index
        %get3A_426 = tpu.vector_load %arg6[%get3A_423, %get3A_424, %get3A_425] {strides = array<i32>} : memref<4x128x64xf32, #tpu.memory_space<vmem>>, vector<16xf32>,
        %mul3A_427 = arith.constant 8.000000e+00 : f32
        %mul3A_428 = vector.broadcast %mul3A_427 : f32 to vector<16xf32>
        %mul3A_429 = arith.mulf %get3A_426, %mul3A_428 : vector<16xf32>
        %swap3A_430 = arith.constant 1 : i32
        %swap3A_431 = arith.index_cast %swap3A_430 : i32 to index
        %swap3A_432 = arith.index_cast %scan3A_421 : i32 to index
        %swap3A_433 = arith.constant 0 : index
        %swap3A_434 = tpu.vector_load %arg6[%swap3A_431, %swap3A_432, %swap3A_433] {strides = array<i32>} : memref<4x128x64xf32, #tpu.memory_space<vmem>>, vector<16xf32>,
        tpu.vector_store %arg6[%swap3A_431, %swap3A_432, %swap3A_433], %mul3A_429 {strides = array<i32>} : memref<4x128x64xf32, #tpu.memory_space<vmem>>, vector<16xf32>,
        %get3A_435 = arith.constant 1 : i32
        %get3A_436 = arith.index_cast %get3A_435 : i32 to index
        %get3A_437 = arith.index_cast %scan3A_421 : i32 to index
        %get3A_438 = arith.constant 16 : index
        %get3A_439 = tpu.vector_load %arg6[%get3A_436, %get3A_437, %get3A_438] {strides = array<i32>} : memref<4x128x64xf32, #tpu.memory_space<vmem>>, vector<16xf32>,
        %mul3A_440 = arith.constant 8.000000e+00 : f32
        %mul3A_441 = vector.broadcast %mul3A_440 : f32 to vector<16xf32>
        %mul3A_442 = arith.mulf %get3A_439, %mul3A_441 : vector<16xf32>
        %swap3A_443 = arith.constant 1 : i32
        %swap3A_444 = arith.index_cast %swap3A_443 : i32 to index
        %swap3A_445 = arith.index_cast %scan3A_421 : i32 to index
        %swap3A_446 = arith.constant 16 : index
        %swap3A_447 = tpu.vector_load %arg6[%swap3A_444, %swap3A_445, %swap3A_446] {strides = array<i32>} : memref<4x128x64xf32, #tpu.memory_space<vmem>>, vector<16xf32>,
        tpu.vector_store %arg6[%swap3A_444, %swap3A_445, %swap3A_446], %mul3A_442 {strides = array<i32>} : memref<4x128x64xf32, #tpu.memory_space<vmem>>, vector<16xf32>,
        %get3A_448 = arith.constant 1 : i32
        %get3A_449 = arith.index_cast %get3A_448 : i32 to index
        %get3A_450 = arith.index_cast %scan3A_421 : i32 to index
        %get3A_451 = arith.constant 32 : index
        %get3A_452 = tpu.vector_load %arg6[%get3A_449, %get3A_450, %get3A_451] {strides = array<i32>} : memref<4x128x64xf32, #tpu.memory_space<vmem>>, vector<16xf32>,
        %mul3A_453 = arith.constant 8.000000e+00 : f32
        %mul3A_454 = vector.broadcast %mul3A_453 : f32 to vector<16xf32>
        %mul3A_455 = arith.mulf %get3A_452, %mul3A_454 : vector<16xf32>
        %swap3A_456 = arith.constant 1 : i32
        %swap3A_457 = arith.index_cast %swap3A_456 : i32 to index
        %swap3A_458 = arith.index_cast %scan3A_421 : i32 to index
        %swap3A_459 = arith.constant 32 : index
        %swap3A_460 = tpu.vector_load %arg6[%swap3A_457, %swap3A_458, %swap3A_459] {strides = array<i32>} : memref<4x128x64xf32, #tpu.memory_space<vmem>>, vector<16xf32>,
        tpu.vector_store %arg6[%swap3A_457, %swap3A_458, %swap3A_459], %mul3A_455 {strides = array<i32>} : memref<4x128x64xf32, #tpu.memory_space<vmem>>, vector<16xf32>,
        %get3A_461 = arith.constant 1 : i32
        %get3A_462 = arith.index_cast %get3A_461 : i32 to index
        %get3A_463 = arith.index_cast %scan3A_421 : i32 to index
        %get3A_464 = arith.constant 48 : index
        %get3A_465 = tpu.vector_load %arg6[%get3A_462, %get3A_463, %get3A_464] {strides = array<i32>} : memref<4x128x64xf32, #tpu.memory_space<vmem>>, vector<16xf32>,
        %mul3A_466 = arith.constant 8.000000e+00 : f32
        %mul3A_467 = vector.broadcast %mul3A_466 : f32 to vector<16xf32>
        %mul3A_468 = arith.mulf %get3A_465, %mul3A_467 : vector<16xf32>
        %swap3A_469 = arith.constant 1 : i32
        %swap3A_470 = arith.index_cast %swap3A_469 : i32 to index
        %swap3A_471 = arith.index_cast %scan3A_421 : i32 to index
        %swap3A_472 = arith.constant 48 : index
        %swap3A_473 = tpu.vector_load %arg6[%swap3A_470, %swap3A_471, %swap3A_472] {strides = array<i32>} : memref<4x128x64xf32, #tpu.memory_space<vmem>>, vector<16xf32>,
        tpu.vector_store %arg6[%swap3A_470, %swap3A_471, %swap3A_472], %mul3A_468 {strides = array<i32>} : memref<4x128x64xf32, #tpu.memory_space<vmem>>, vector<16xf32>,
      }
      %scan3A_122 = arith.constant 128 : i32
      %mul3A_123 = arith.constant 128 : i32
      %mul3A_124 = arith.muli %add3A_105, %mul3A_123 : i32
      %add3A_125 = arith.addi %mul3A_4, %mul3A_124 : i32
      %dma_start3A_126 = arith.constant 1 : i32
      %dma_start3A_127 = arith.constant 0 : i32
      %dma_start3A_128 = arith.constant 0 : i32
      %dma_start3A_129 = tpu.memref_slice %arg6[%dma_start3A_126, %dma_start3A_127, %dma_start3A_128] : memref<4x128x64xf32, #tpu.memory_space<vmem>> -> memref<1x128x64xf32, #tpu.memory_space<vmem>>
      %dma_start3A_130 = tpu.memref_squeeze %dma_start3A_129 : memref<1x128x64xf32, #tpu.memory_space<vmem>> -> memref<128x64xf32, #tpu.memory_space<vmem>>
      %dma_start3A_131 = arith.constant 0 : i32
      %dma_start3A_132 = tpu.memref_slice %arg4[%add3A_125, %dma_start3A_131] : memref<819200x128xf32, #tpu.memory_space<hbm>> -> memref<128x64xf32, #tpu.memory_space<hbm>>
      %dma_start3A_133 = arith.constant 0 : i32
      %dma_start3A_134 = tpu.memref_slice %arg4[%add3A_125, %dma_start3A_133] : memref<819200x128xf32, #tpu.memory_space<hbm>> -> memref<128x64xf32, #tpu.memory_space<hbm>>
      %dma_start3A_135 = arith.constant 0 : i32
      %dma_start3A_136 = arith.constant 0 : i32
      %dma_start3A_137 = tpu.memref_slice %arg6[%dma_start3A_126, %dma_start3A_135, %dma_start3A_136] : memref<4x128x64xf32, #tpu.memory_space<vmem>> -> memref<1x128x64xf32, #tpu.memory_space<vmem>>
      %dma_start3A_138 = tpu.memref_squeeze %dma_start3A_137 : memref<1x128x64xf32, #tpu.memory_space<vmem>> -> memref<128x64xf32, #tpu.memory_space<vmem>>
      tpu.enqueue_dma source(%dma_start3A_138 : memref<128x64xf32, #tpu.memory_space<vmem>>) target(%dma_start3A_134 : memref<128x64xf32, #tpu.memory_space<hbm>>) target_semaphore(%arg12 : memref<!tpu.dma_semaphore, #tpu.memory_space<semaphore_mem>>)
      %gt3A_139 = arith.constant 0 : i32
      %gt3A_140 = arith.cmpi sgt, %scan3A_58, %gt3A_139 : i32
      %convert_element_type3A_141 = arith.extui %gt3A_140 : i1 to i32
      %cond3A_142 = arith.constant 0 : i32
      %cond3A_143 = arith.cmpi ne, %convert_element_type3A_141, %cond3A_142 : i32
      scf.if %cond3A_143 {
        %dma_wait3A_261 = arith.constant 3 : i32
        %dma_wait3A_262 = arith.constant 0 : i32
        %dma_wait3A_263 = arith.constant 0 : i32
        %dma_wait3A_264 = tpu.memref_slice %arg6[%dma_wait3A_261, %dma_wait3A_262, %dma_wait3A_263] : memref<4x128x64xf32, #tpu.memory_space<vmem>> -> memref<1x128x64xf32, #tpu.memory_space<vmem>>
        %dma_wait3A_265 = tpu.memref_squeeze %dma_wait3A_264 : memref<1x128x64xf32, #tpu.memory_space<vmem>> -> memref<128x64xf32, #tpu.memory_space<vmem>>
        %dma_wait3A_266 = arith.constant 0 : i32
        %dma_wait3A_267 = tpu.memref_slice %arg4[%mul3A_4, %dma_wait3A_266] : memref<819200x128xf32, #tpu.memory_space<hbm>> -> memref<128x64xf32, #tpu.memory_space<hbm>>
        %dma_wait3A_268 = arith.constant 0 : i32
        %dma_wait3A_269 = tpu.memref_slice %arg4[%mul3A_4, %dma_wait3A_268] : memref<819200x128xf32, #tpu.memory_space<hbm>> -> memref<128x64xf32, #tpu.memory_space<hbm>>
        %dma_wait3A_270 = arith.constant 0 : i32
        %dma_wait3A_271 = arith.constant 0 : i32
        %dma_wait3A_272 = tpu.memref_slice %arg6[%dma_wait3A_261, %dma_wait3A_270, %dma_wait3A_271] : memref<4x128x64xf32, #tpu.memory_space<vmem>> -> memref<1x128x64xf32, #tpu.memory_space<vmem>>
        %dma_wait3A_273 = tpu.memref_squeeze %dma_wait3A_272 : memref<1x128x64xf32, #tpu.memory_space<vmem>> -> memref<128x64xf32, #tpu.memory_space<vmem>>
        tpu.wait_dma2 semaphore(%arg14 : memref<!tpu.dma_semaphore, #tpu.memory_space<semaphore_mem>>) src(%dma_wait3A_273 : memref<128x64xf32, #tpu.memory_space<vmem>>) dst(%dma_wait3A_269 : memref<128x64xf32, #tpu.memory_space<hbm>>)
      } else {
      }
      %add3A_144 = arith.constant 2 : i32
      %add3A_145 = arith.addi %add3A_105, %add3A_144 : i32
      %lt3A_146 = arith.constant 200 : i32
      %lt3A_147 = arith.cmpi slt, %add3A_145, %lt3A_146 : i32
      %convert_element_type3A_148 = arith.extui %lt3A_147 : i1 to i32
      %cond3A_149 = arith.constant 0 : i32
      %cond3A_150 = arith.cmpi ne, %convert_element_type3A_148, %cond3A_149 : i32
      scf.if %cond3A_150 {
        %add3A_261 = arith.constant 2 : i32
        %add3A_262 = arith.addi %add3A_105, %add3A_261 : i32
        %dma_start3A_263 = arith.constant 3 : i32
        %dma_start3A_264 = arith.constant 0 : i32
        %dma_start3A_265 = arith.constant 0 : i32
        %dma_start3A_266 = tpu.memref_slice %arg6[%dma_start3A_263, %dma_start3A_264, %dma_start3A_265] : memref<4x128x64xf32, #tpu.memory_space<vmem>> -> memref<1x128x64xf32, #tpu.memory_space<vmem>>
        %dma_start3A_267 = tpu.memref_squeeze %dma_start3A_266 : memref<1x128x64xf32, #tpu.memory_space<vmem>> -> memref<128x64xf32, #tpu.memory_space<vmem>>
        %dma_start3A_268 = arith.constant 0 : i32
        %dma_start3A_269 = tpu.memref_slice %arg5[%add3A_262, %dma_start3A_268] : memref<200x128xi32, #tpu.memory_space<vmem>> -> memref<1x128xi32, #tpu.memory_space<vmem>>
        %dma_start3A_270 = tpu.memref_squeeze %dma_start3A_269 : memref<1x128xi32, #tpu.memory_space<vmem>> -> memref<128xi32, #tpu.memory_space<vmem>>
        %dma_start3A_271 = arith.constant 0 : i32
        %dma_start3A_272 = arith.constant 0 : i32
        %dma_start3A_273 = tpu.memref_slice %arg3[%dma_start3A_271, %dma_start3A_272] : memref<1000000x64xf32, #tpu.memory_space<hbm>> -> memref<1000000x64xf32, #tpu.memory_space<hbm>>
        tpu.enqueue_indirect_dma source(%dma_start3A_273 : memref<1000000x64xf32, #tpu.memory_space<hbm>>) target(%dma_start3A_267 : memref<128x64xf32, #tpu.memory_space<vmem>>) offsets(%dma_start3A_270 : memref<128xi32, #tpu.memory_space<vmem>>) semaphore(%arg10 : memref<!tpu.dma_semaphore, #tpu.memory_space<semaphore_mem>>)
      } else {
      }
      %add3A_151 = arith.constant 2 : i32
      %add3A_152 = arith.addi %mul3A_60, %add3A_151 : i32
      %dma_wait3A_153 = arith.constant 2 : i32
      %dma_wait3A_154 = arith.constant 0 : i32
      %dma_wait3A_155 = arith.constant 0 : i32
      %dma_wait3A_156 = tpu.memref_slice %arg6[%dma_wait3A_153, %dma_wait3A_154, %dma_wait3A_155] : memref<4x128x64xf32, #tpu.memory_space<vmem>> -> memref<1x128x64xf32, #tpu.memory_space<vmem>>
      %dma_wait3A_157 = tpu.memref_squeeze %dma_wait3A_156 : memref<1x128x64xf32, #tpu.memory_space<vmem>> -> memref<128x64xf32, #tpu.memory_space<vmem>>
      %dma_wait3A_158 = arith.constant 0 : i32
      %dma_wait3A_159 = tpu.memref_slice %arg5[%add3A_152, %dma_wait3A_158] : memref<200x128xi32, #tpu.memory_space<vmem>> -> memref<1x128xi32, #tpu.memory_space<vmem>>
      %dma_wait3A_160 = tpu.memref_squeeze %dma_wait3A_159 : memref<1x128xi32, #tpu.memory_space<vmem>> -> memref<128xi32, #tpu.memory_space<vmem>>
      %dma_wait3A_161 = arith.constant 0 : i32
      %dma_wait3A_162 = arith.constant 0 : i32
      %dma_wait3A_163 = tpu.memref_slice %arg3[%dma_wait3A_161, %dma_wait3A_162] : memref<1000000x64xf32, #tpu.memory_space<hbm>> -> memref<1000000x64xf32, #tpu.memory_space<hbm>>
      tpu.wait_indirect_dma semaphore(%arg9 : memref<!tpu.dma_semaphore, #tpu.memory_space<semaphore_mem>>) src(%dma_wait3A_163 : memref<1000000x64xf32, #tpu.memory_space<hbm>>) dst(%dma_wait3A_157 : memref<128x64xf32, #tpu.memory_space<vmem>>)
      %scan3A_164 = arith.constant 0 : i32
      %scan3A_165 = arith.constant 0 : i32
      %scan3A_166 = arith.constant 128 : i32
      %scan3A_167 = arith.addi %scan3A_165, %scan3A_166 : i32
      %scan3A_168 = arith.constant 4 : i32
      scf.for %scan3A_261 = %scan3A_165 to %scan3A_167 step %scan3A_168  : i32 {
        %get3A = arith.constant 2 : i32
        %get3A_262 = arith.index_cast %get3A : i32 to index
        %get3A_263 = arith.index_cast %scan3A_261 : i32 to index
        %get3A_264 = arith.constant 0 : index
        %get3A_265 = tpu.vector_load %arg6[%get3A_262, %get3A_263, %get3A_264] {strides = array<i32>} : memref<4x128x64xf32, #tpu.memory_space<vmem>>, vector<16xf32>,
        %mul3A_266 = arith.constant 8.000000e+00 : f32
        %mul3A_267 = vector.broadcast %mul3A_266 : f32 to vector<16xf32>
        %mul3A_268 = arith.mulf %get3A_265, %mul3A_267 : vector<16xf32>
        %swap3A = arith.constant 2 : i32
        %swap3A_269 = arith.index_cast %swap3A : i32 to index
        %swap3A_270 = arith.index_cast %scan3A_261 : i32 to index
        %swap3A_271 = arith.constant 0 : index
        %swap3A_272 = tpu.vector_load %arg6[%swap3A_269, %swap3A_270, %swap3A_271] {strides = array<i32>} : memref<4x128x64xf32, #tpu.memory_space<vmem>>, vector<16xf32>,
        tpu.vector_store %arg6[%swap3A_269, %swap3A_270, %swap3A_271], %mul3A_268 {strides = array<i32>} : memref<4x128x64xf32, #tpu.memory_space<vmem>>, vector<16xf32>,
        %get3A_273 = arith.constant 2 : i32
        %get3A_274 = arith.index_cast %get3A_273 : i32 to index
        %get3A_275 = arith.index_cast %scan3A_261 : i32 to index
        %get3A_276 = arith.constant 16 : index
        %get3A_277 = tpu.vector_load %arg6[%get3A_274, %get3A_275, %get3A_276] {strides = array<i32>} : memref<4x128x64xf32, #tpu.memory_space<vmem>>, vector<16xf32>,
        %mul3A_278 = arith.constant 8.000000e+00 : f32
        %mul3A_279 = vector.broadcast %mul3A_278 : f32 to vector<16xf32>
        %mul3A_280 = arith.mulf %get3A_277, %mul3A_279 : vector<16xf32>
        %swap3A_281 = arith.constant 2 : i32
        %swap3A_282 = arith.index_cast %swap3A_281 : i32 to index
        %swap3A_283 = arith.index_cast %scan3A_261 : i32 to index
        %swap3A_284 = arith.constant 16 : index
        %swap3A_285 = tpu.vector_load %arg6[%swap3A_282, %swap3A_283, %swap3A_284] {strides = array<i32>} : memref<4x128x64xf32, #tpu.memory_space<vmem>>, vector<16xf32>,
        tpu.vector_store %arg6[%swap3A_282, %swap3A_283, %swap3A_284], %mul3A_280 {strides = array<i32>} : memref<4x128x64xf32, #tpu.memory_space<vmem>>, vector<16xf32>,
        %get3A_286 = arith.constant 2 : i32
        %get3A_287 = arith.index_cast %get3A_286 : i32 to index
        %get3A_288 = arith.index_cast %scan3A_261 : i32 to index
        %get3A_289 = arith.constant 32 : index
        %get3A_290 = tpu.vector_load %arg6[%get3A_287, %get3A_288, %get3A_289] {strides = array<i32>} : memref<4x128x64xf32, #tpu.memory_space<vmem>>, vector<16xf32>,
        %mul3A_291 = arith.constant 8.000000e+00 : f32
        %mul3A_292 = vector.broadcast %mul3A_291 : f32 to vector<16xf32>
        %mul3A_293 = arith.mulf %get3A_290, %mul3A_292 : vector<16xf32>
        %swap3A_294 = arith.constant 2 : i32
        %swap3A_295 = arith.index_cast %swap3A_294 : i32 to index
        %swap3A_296 = arith.index_cast %scan3A_261 : i32 to index
        %swap3A_297 = arith.constant 32 : index
        %swap3A_298 = tpu.vector_load %arg6[%swap3A_295, %swap3A_296, %swap3A_297] {strides = array<i32>} : memref<4x128x64xf32, #tpu.memory_space<vmem>>, vector<16xf32>,
        tpu.vector_store %arg6[%swap3A_295, %swap3A_296, %swap3A_297], %mul3A_293 {strides = array<i32>} : memref<4x128x64xf32, #tpu.memory_space<vmem>>, vector<16xf32>,
        %get3A_299 = arith.constant 2 : i32
        %get3A_300 = arith.index_cast %get3A_299 : i32 to index
        %get3A_301 = arith.index_cast %scan3A_261 : i32 to index
        %get3A_302 = arith.constant 48 : index
        %get3A_303 = tpu.vector_load %arg6[%get3A_300, %get3A_301, %get3A_302] {strides = array<i32>} : memref<4x128x64xf32, #tpu.memory_space<vmem>>, vector<16xf32>,
        %mul3A_304 = arith.constant 8.000000e+00 : f32
        %mul3A_305 = vector.broadcast %mul3A_304 : f32 to vector<16xf32>
        %mul3A_306 = arith.mulf %get3A_303, %mul3A_305 : vector<16xf32>
        %swap3A_307 = arith.constant 2 : i32
        %swap3A_308 = arith.index_cast %swap3A_307 : i32 to index
        %swap3A_309 = arith.index_cast %scan3A_261 : i32 to index
        %swap3A_310 = arith.constant 48 : index
        %swap3A_311 = tpu.vector_load %arg6[%swap3A_308, %swap3A_309, %swap3A_310] {strides = array<i32>} : memref<4x128x64xf32, #tpu.memory_space<vmem>>, vector<16xf32>,
        tpu.vector_store %arg6[%swap3A_308, %swap3A_309, %swap3A_310], %mul3A_306 {strides = array<i32>} : memref<4x128x64xf32, #tpu.memory_space<vmem>>, vector<16xf32>,
        %scan3A_312 = arith.constant 1 : i32
        %scan3A_313 = arith.addi %scan3A_261, %scan3A_312 : i32
        %get3A_314 = arith.constant 2 : i32
        %get3A_315 = arith.index_cast %get3A_314 : i32 to index
        %get3A_316 = arith.index_cast %scan3A_313 : i32 to index
        %get3A_317 = arith.constant 0 : index
        %get3A_318 = tpu.vector_load %arg6[%get3A_315, %get3A_316, %get3A_317] {strides = array<i32>} : memref<4x128x64xf32, #tpu.memory_space<vmem>>, vector<16xf32>,
        %mul3A_319 = arith.constant 8.000000e+00 : f32
        %mul3A_320 = vector.broadcast %mul3A_319 : f32 to vector<16xf32>
        %mul3A_321 = arith.mulf %get3A_318, %mul3A_320 : vector<16xf32>
        %swap3A_322 = arith.constant 2 : i32
        %swap3A_323 = arith.index_cast %swap3A_322 : i32 to index
        %swap3A_324 = arith.index_cast %scan3A_313 : i32 to index
        %swap3A_325 = arith.constant 0 : index
        %swap3A_326 = tpu.vector_load %arg6[%swap3A_323, %swap3A_324, %swap3A_325] {strides = array<i32>} : memref<4x128x64xf32, #tpu.memory_space<vmem>>, vector<16xf32>,
        tpu.vector_store %arg6[%swap3A_323, %swap3A_324, %swap3A_325], %mul3A_321 {strides = array<i32>} : memref<4x128x64xf32, #tpu.memory_space<vmem>>, vector<16xf32>,
        %get3A_327 = arith.constant 2 : i32
        %get3A_328 = arith.index_cast %get3A_327 : i32 to index
        %get3A_329 = arith.index_cast %scan3A_313 : i32 to index
        %get3A_330 = arith.constant 16 : index
        %get3A_331 = tpu.vector_load %arg6[%get3A_328, %get3A_329, %get3A_330] {strides = array<i32>} : memref<4x128x64xf32, #tpu.memory_space<vmem>>, vector<16xf32>,
        %mul3A_332 = arith.constant 8.000000e+00 : f32
        %mul3A_333 = vector.broadcast %mul3A_332 : f32 to vector<16xf32>
        %mul3A_334 = arith.mulf %get3A_331, %mul3A_333 : vector<16xf32>
        %swap3A_335 = arith.constant 2 : i32
        %swap3A_336 = arith.index_cast %swap3A_335 : i32 to index
        %swap3A_337 = arith.index_cast %scan3A_313 : i32 to index
        %swap3A_338 = arith.constant 16 : index
        %swap3A_339 = tpu.vector_load %arg6[%swap3A_336, %swap3A_337, %swap3A_338] {strides = array<i32>} : memref<4x128x64xf32, #tpu.memory_space<vmem>>, vector<16xf32>,
        tpu.vector_store %arg6[%swap3A_336, %swap3A_337, %swap3A_338], %mul3A_334 {strides = array<i32>} : memref<4x128x64xf32, #tpu.memory_space<vmem>>, vector<16xf32>,
        %get3A_340 = arith.constant 2 : i32
        %get3A_341 = arith.index_cast %get3A_340 : i32 to index
        %get3A_342 = arith.index_cast %scan3A_313 : i32 to index
        %get3A_343 = arith.constant 32 : index
        %get3A_344 = tpu.vector_load %arg6[%get3A_341, %get3A_342, %get3A_343] {strides = array<i32>} : memref<4x128x64xf32, #tpu.memory_space<vmem>>, vector<16xf32>,
        %mul3A_345 = arith.constant 8.000000e+00 : f32
        %mul3A_346 = vector.broadcast %mul3A_345 : f32 to vector<16xf32>
        %mul3A_347 = arith.mulf %get3A_344, %mul3A_346 : vector<16xf32>
        %swap3A_348 = arith.constant 2 : i32
        %swap3A_349 = arith.index_cast %swap3A_348 : i32 to index
        %swap3A_350 = arith.index_cast %scan3A_313 : i32 to index
        %swap3A_351 = arith.constant 32 : index
        %swap3A_352 = tpu.vector_load %arg6[%swap3A_349, %swap3A_350, %swap3A_351] {strides = array<i32>} : memref<4x128x64xf32, #tpu.memory_space<vmem>>, vector<16xf32>,
        tpu.vector_store %arg6[%swap3A_349, %swap3A_350, %swap3A_351], %mul3A_347 {strides = array<i32>} : memref<4x128x64xf32, #tpu.memory_space<vmem>>, vector<16xf32>,
        %get3A_353 = arith.constant 2 : i32
        %get3A_354 = arith.index_cast %get3A_353 : i32 to index
        %get3A_355 = arith.index_cast %scan3A_313 : i32 to index
        %get3A_356 = arith.constant 48 : index
        %get3A_357 = tpu.vector_load %arg6[%get3A_354, %get3A_355, %get3A_356] {strides = array<i32>} : memref<4x128x64xf32, #tpu.memory_space<vmem>>, vector<16xf32>,
        %mul3A_358 = arith.constant 8.000000e+00 : f32
        %mul3A_359 = vector.broadcast %mul3A_358 : f32 to vector<16xf32>
        %mul3A_360 = arith.mulf %get3A_357, %mul3A_359 : vector<16xf32>
        %swap3A_361 = arith.constant 2 : i32
        %swap3A_362 = arith.index_cast %swap3A_361 : i32 to index
        %swap3A_363 = arith.index_cast %scan3A_313 : i32 to index
        %swap3A_364 = arith.constant 48 : index
        %swap3A_365 = tpu.vector_load %arg6[%swap3A_362, %swap3A_363, %swap3A_364] {strides = array<i32>} : memref<4x128x64xf32, #tpu.memory_space<vmem>>, vector<16xf32>,
        tpu.vector_store %arg6[%swap3A_362, %swap3A_363, %swap3A_364], %mul3A_360 {strides = array<i32>} : memref<4x128x64xf32, #tpu.memory_space<vmem>>, vector<16xf32>,
        %scan3A_366 = arith.constant 2 : i32
        %scan3A_367 = arith.addi %scan3A_261, %scan3A_366 : i32
        %get3A_368 = arith.constant 2 : i32
        %get3A_369 = arith.index_cast %get3A_368 : i32 to index
        %get3A_370 = arith.index_cast %scan3A_367 : i32 to index
        %get3A_371 = arith.constant 0 : index
        %get3A_372 = tpu.vector_load %arg6[%get3A_369, %get3A_370, %get3A_371] {strides = array<i32>} : memref<4x128x64xf32, #tpu.memory_space<vmem>>, vector<16xf32>,
        %mul3A_373 = arith.constant 8.000000e+00 : f32
        %mul3A_374 = vector.broadcast %mul3A_373 : f32 to vector<16xf32>
        %mul3A_375 = arith.mulf %get3A_372, %mul3A_374 : vector<16xf32>
        %swap3A_376 = arith.constant 2 : i32
        %swap3A_377 = arith.index_cast %swap3A_376 : i32 to index
        %swap3A_378 = arith.index_cast %scan3A_367 : i32 to index
        %swap3A_379 = arith.constant 0 : index
        %swap3A_380 = tpu.vector_load %arg6[%swap3A_377, %swap3A_378, %swap3A_379] {strides = array<i32>} : memref<4x128x64xf32, #tpu.memory_space<vmem>>, vector<16xf32>,
        tpu.vector_store %arg6[%swap3A_377, %swap3A_378, %swap3A_379], %mul3A_375 {strides = array<i32>} : memref<4x128x64xf32, #tpu.memory_space<vmem>>, vector<16xf32>,
        %get3A_381 = arith.constant 2 : i32
        %get3A_382 = arith.index_cast %get3A_381 : i32 to index
        %get3A_383 = arith.index_cast %scan3A_367 : i32 to index
        %get3A_384 = arith.constant 16 : index
        %get3A_385 = tpu.vector_load %arg6[%get3A_382, %get3A_383, %get3A_384] {strides = array<i32>} : memref<4x128x64xf32, #tpu.memory_space<vmem>>, vector<16xf32>,
        %mul3A_386 = arith.constant 8.000000e+00 : f32
        %mul3A_387 = vector.broadcast %mul3A_386 : f32 to vector<16xf32>
        %mul3A_388 = arith.mulf %get3A_385, %mul3A_387 : vector<16xf32>
        %swap3A_389 = arith.constant 2 : i32
        %swap3A_390 = arith.index_cast %swap3A_389 : i32 to index
        %swap3A_391 = arith.index_cast %scan3A_367 : i32 to index
        %swap3A_392 = arith.constant 16 : index
        %swap3A_393 = tpu.vector_load %arg6[%swap3A_390, %swap3A_391, %swap3A_392] {strides = array<i32>} : memref<4x128x64xf32, #tpu.memory_space<vmem>>, vector<16xf32>,
        tpu.vector_store %arg6[%swap3A_390, %swap3A_391, %swap3A_392], %mul3A_388 {strides = array<i32>} : memref<4x128x64xf32, #tpu.memory_space<vmem>>, vector<16xf32>,
        %get3A_394 = arith.constant 2 : i32
        %get3A_395 = arith.index_cast %get3A_394 : i32 to index
        %get3A_396 = arith.index_cast %scan3A_367 : i32 to index
        %get3A_397 = arith.constant 32 : index
        %get3A_398 = tpu.vector_load %arg6[%get3A_395, %get3A_396, %get3A_397] {strides = array<i32>} : memref<4x128x64xf32, #tpu.memory_space<vmem>>, vector<16xf32>,
        %mul3A_399 = arith.constant 8.000000e+00 : f32
        %mul3A_400 = vector.broadcast %mul3A_399 : f32 to vector<16xf32>
        %mul3A_401 = arith.mulf %get3A_398, %mul3A_400 : vector<16xf32>
        %swap3A_402 = arith.constant 2 : i32
        %swap3A_403 = arith.index_cast %swap3A_402 : i32 to index
        %swap3A_404 = arith.index_cast %scan3A_367 : i32 to index
        %swap3A_405 = arith.constant 32 : index
        %swap3A_406 = tpu.vector_load %arg6[%swap3A_403, %swap3A_404, %swap3A_405] {strides = array<i32>} : memref<4x128x64xf32, #tpu.memory_space<vmem>>, vector<16xf32>,
        tpu.vector_store %arg6[%swap3A_403, %swap3A_404, %swap3A_405], %mul3A_401 {strides = array<i32>} : memref<4x128x64xf32, #tpu.memory_space<vmem>>, vector<16xf32>,
        %get3A_407 = arith.constant 2 : i32
        %get3A_408 = arith.index_cast %get3A_407 : i32 to index
        %get3A_409 = arith.index_cast %scan3A_367 : i32 to index
        %get3A_410 = arith.constant 48 : index
        %get3A_411 = tpu.vector_load %arg6[%get3A_408, %get3A_409, %get3A_410] {strides = array<i32>} : memref<4x128x64xf32, #tpu.memory_space<vmem>>, vector<16xf32>,
        %mul3A_412 = arith.constant 8.000000e+00 : f32
        %mul3A_413 = vector.broadcast %mul3A_412 : f32 to vector<16xf32>
        %mul3A_414 = arith.mulf %get3A_411, %mul3A_413 : vector<16xf32>
        %swap3A_415 = arith.constant 2 : i32
        %swap3A_416 = arith.index_cast %swap3A_415 : i32 to index
        %swap3A_417 = arith.index_cast %scan3A_367 : i32 to index
        %swap3A_418 = arith.constant 48 : index
        %swap3A_419 = tpu.vector_load %arg6[%swap3A_416, %swap3A_417, %swap3A_418] {strides = array<i32>} : memref<4x128x64xf32, #tpu.memory_space<vmem>>, vector<16xf32>,
        tpu.vector_store %arg6[%swap3A_416, %swap3A_417, %swap3A_418], %mul3A_414 {strides = array<i32>} : memref<4x128x64xf32, #tpu.memory_space<vmem>>, vector<16xf32>,
        %scan3A_420 = arith.constant 3 : i32
        %scan3A_421 = arith.addi %scan3A_261, %scan3A_420 : i32
        %get3A_422 = arith.constant 2 : i32
        %get3A_423 = arith.index_cast %get3A_422 : i32 to index
        %get3A_424 = arith.index_cast %scan3A_421 : i32 to index
        %get3A_425 = arith.constant 0 : index
        %get3A_426 = tpu.vector_load %arg6[%get3A_423, %get3A_424, %get3A_425] {strides = array<i32>} : memref<4x128x64xf32, #tpu.memory_space<vmem>>, vector<16xf32>,
        %mul3A_427 = arith.constant 8.000000e+00 : f32
        %mul3A_428 = vector.broadcast %mul3A_427 : f32 to vector<16xf32>
        %mul3A_429 = arith.mulf %get3A_426, %mul3A_428 : vector<16xf32>
        %swap3A_430 = arith.constant 2 : i32
        %swap3A_431 = arith.index_cast %swap3A_430 : i32 to index
        %swap3A_432 = arith.index_cast %scan3A_421 : i32 to index
        %swap3A_433 = arith.constant 0 : index
        %swap3A_434 = tpu.vector_load %arg6[%swap3A_431, %swap3A_432, %swap3A_433] {strides = array<i32>} : memref<4x128x64xf32, #tpu.memory_space<vmem>>, vector<16xf32>,
        tpu.vector_store %arg6[%swap3A_431, %swap3A_432, %swap3A_433], %mul3A_429 {strides = array<i32>} : memref<4x128x64xf32, #tpu.memory_space<vmem>>, vector<16xf32>,
        %get3A_435 = arith.constant 2 : i32
        %get3A_436 = arith.index_cast %get3A_435 : i32 to index
        %get3A_437 = arith.index_cast %scan3A_421 : i32 to index
        %get3A_438 = arith.constant 16 : index
        %get3A_439 = tpu.vector_load %arg6[%get3A_436, %get3A_437, %get3A_438] {strides = array<i32>} : memref<4x128x64xf32, #tpu.memory_space<vmem>>, vector<16xf32>,
        %mul3A_440 = arith.constant 8.000000e+00 : f32
        %mul3A_441 = vector.broadcast %mul3A_440 : f32 to vector<16xf32>
        %mul3A_442 = arith.mulf %get3A_439, %mul3A_441 : vector<16xf32>
        %swap3A_443 = arith.constant 2 : i32
        %swap3A_444 = arith.index_cast %swap3A_443 : i32 to index
        %swap3A_445 = arith.index_cast %scan3A_421 : i32 to index
        %swap3A_446 = arith.constant 16 : index
        %swap3A_447 = tpu.vector_load %arg6[%swap3A_444, %swap3A_445, %swap3A_446] {strides = array<i32>} : memref<4x128x64xf32, #tpu.memory_space<vmem>>, vector<16xf32>,
        tpu.vector_store %arg6[%swap3A_444, %swap3A_445, %swap3A_446], %mul3A_442 {strides = array<i32>} : memref<4x128x64xf32, #tpu.memory_space<vmem>>, vector<16xf32>,
        %get3A_448 = arith.constant 2 : i32
        %get3A_449 = arith.index_cast %get3A_448 : i32 to index
        %get3A_450 = arith.index_cast %scan3A_421 : i32 to index
        %get3A_451 = arith.constant 32 : index
        %get3A_452 = tpu.vector_load %arg6[%get3A_449, %get3A_450, %get3A_451] {strides = array<i32>} : memref<4x128x64xf32, #tpu.memory_space<vmem>>, vector<16xf32>,
        %mul3A_453 = arith.constant 8.000000e+00 : f32
        %mul3A_454 = vector.broadcast %mul3A_453 : f32 to vector<16xf32>
        %mul3A_455 = arith.mulf %get3A_452, %mul3A_454 : vector<16xf32>
        %swap3A_456 = arith.constant 2 : i32
        %swap3A_457 = arith.index_cast %swap3A_456 : i32 to index
        %swap3A_458 = arith.index_cast %scan3A_421 : i32 to index
        %swap3A_459 = arith.constant 32 : index
        %swap3A_460 = tpu.vector_load %arg6[%swap3A_457, %swap3A_458, %swap3A_459] {strides = array<i32>} : memref<4x128x64xf32, #tpu.memory_space<vmem>>, vector<16xf32>,
        tpu.vector_store %arg6[%swap3A_457, %swap3A_458, %swap3A_459], %mul3A_455 {strides = array<i32>} : memref<4x128x64xf32, #tpu.memory_space<vmem>>, vector<16xf32>,
        %get3A_461 = arith.constant 2 : i32
        %get3A_462 = arith.index_cast %get3A_461 : i32 to index
        %get3A_463 = arith.index_cast %scan3A_421 : i32 to index
        %get3A_464 = arith.constant 48 : index
        %get3A_465 = tpu.vector_load %arg6[%get3A_462, %get3A_463, %get3A_464] {strides = array<i32>} : memref<4x128x64xf32, #tpu.memory_space<vmem>>, vector<16xf32>,
        %mul3A_466 = arith.constant 8.000000e+00 : f32
        %mul3A_467 = vector.broadcast %mul3A_466 : f32 to vector<16xf32>
        %mul3A_468 = arith.mulf %get3A_465, %mul3A_467 : vector<16xf32>
        %swap3A_469 = arith.constant 2 : i32
        %swap3A_470 = arith.index_cast %swap3A_469 : i32 to index
        %swap3A_471 = arith.index_cast %scan3A_421 : i32 to index
        %swap3A_472 = arith.constant 48 : index
        %swap3A_473 = tpu.vector_load %arg6[%swap3A_470, %swap3A_471, %swap3A_472] {strides = array<i32>} : memref<4x128x64xf32, #tpu.memory_space<vmem>>, vector<16xf32>,
        tpu.vector_store %arg6[%swap3A_470, %swap3A_471, %swap3A_472], %mul3A_468 {strides = array<i32>} : memref<4x128x64xf32, #tpu.memory_space<vmem>>, vector<16xf32>,
      }
      %scan3A_169 = arith.constant 128 : i32
      %mul3A_170 = arith.constant 128 : i32
      %mul3A_171 = arith.muli %add3A_152, %mul3A_170 : i32
      %add3A_172 = arith.addi %mul3A_4, %mul3A_171 : i32
      %dma_start3A_173 = arith.constant 2 : i32
      %dma_start3A_174 = arith.constant 0 : i32
      %dma_start3A_175 = arith.constant 0 : i32
      %dma_start3A_176 = tpu.memref_slice %arg6[%dma_start3A_173, %dma_start3A_174, %dma_start3A_175] : memref<4x128x64xf32, #tpu.memory_space<vmem>> -> memref<1x128x64xf32, #tpu.memory_space<vmem>>
      %dma_start3A_177 = tpu.memref_squeeze %dma_start3A_176 : memref<1x128x64xf32, #tpu.memory_space<vmem>> -> memref<128x64xf32, #tpu.memory_space<vmem>>
      %dma_start3A_178 = arith.constant 0 : i32
      %dma_start3A_179 = tpu.memref_slice %arg4[%add3A_172, %dma_start3A_178] : memref<819200x128xf32, #tpu.memory_space<hbm>> -> memref<128x64xf32, #tpu.memory_space<hbm>>
      %dma_start3A_180 = arith.constant 0 : i32
      %dma_start3A_181 = tpu.memref_slice %arg4[%add3A_172, %dma_start3A_180] : memref<819200x128xf32, #tpu.memory_space<hbm>> -> memref<128x64xf32, #tpu.memory_space<hbm>>
      %dma_start3A_182 = arith.constant 0 : i32
      %dma_start3A_183 = arith.constant 0 : i32
      %dma_start3A_184 = tpu.memref_slice %arg6[%dma_start3A_173, %dma_start3A_182, %dma_start3A_183] : memref<4x128x64xf32, #tpu.memory_space<vmem>> -> memref<1x128x64xf32, #tpu.memory_space<vmem>>
      %dma_start3A_185 = tpu.memref_squeeze %dma_start3A_184 : memref<1x128x64xf32, #tpu.memory_space<vmem>> -> memref<128x64xf32, #tpu.memory_space<vmem>>
      tpu.enqueue_dma source(%dma_start3A_185 : memref<128x64xf32, #tpu.memory_space<vmem>>) target(%dma_start3A_181 : memref<128x64xf32, #tpu.memory_space<hbm>>) target_semaphore(%arg13 : memref<!tpu.dma_semaphore, #tpu.memory_space<semaphore_mem>>)
      %dma_wait3A_186 = arith.constant 0 : i32
      %dma_wait3A_187 = arith.constant 0 : i32
      %dma_wait3A_188 = arith.constant 0 : i32
      %dma_wait3A_189 = tpu.memref_slice %arg6[%dma_wait3A_186, %dma_wait3A_187, %dma_wait3A_188] : memref<4x128x64xf32, #tpu.memory_space<vmem>> -> memref<1x128x64xf32, #tpu.memory_space<vmem>>
      %dma_wait3A_190 = tpu.memref_squeeze %dma_wait3A_189 : memref<1x128x64xf32, #tpu.memory_space<vmem>> -> memref<128x64xf32, #tpu.memory_space<vmem>>
      %dma_wait3A_191 = arith.constant 0 : i32
      %dma_wait3A_192 = tpu.memref_slice %arg4[%mul3A_4, %dma_wait3A_191] : memref<819200x128xf32, #tpu.memory_space<hbm>> -> memref<128x64xf32, #tpu.memory_space<hbm>>
      %dma_wait3A_193 = arith.constant 0 : i32
      %dma_wait3A_194 = tpu.memref_slice %arg4[%mul3A_4, %dma_wait3A_193] : memref<819200x128xf32, #tpu.memory_space<hbm>> -> memref<128x64xf32, #tpu.memory_space<hbm>>
      %dma_wait3A_195 = arith.constant 0 : i32
      %dma_wait3A_196 = arith.constant 0 : i32
      %dma_wait3A_197 = tpu.memref_slice %arg6[%dma_wait3A_186, %dma_wait3A_195, %dma_wait3A_196] : memref<4x128x64xf32, #tpu.memory_space<vmem>> -> memref<1x128x64xf32, #tpu.memory_space<vmem>>
      %dma_wait3A_198 = tpu.memref_squeeze %dma_wait3A_197 : memref<1x128x64xf32, #tpu.memory_space<vmem>> -> memref<128x64xf32, #tpu.memory_space<vmem>>
      tpu.wait_dma2 semaphore(%arg11 : memref<!tpu.dma_semaphore, #tpu.memory_space<semaphore_mem>>) src(%dma_wait3A_198 : memref<128x64xf32, #tpu.memory_space<vmem>>) dst(%dma_wait3A_194 : memref<128x64xf32, #tpu.memory_space<hbm>>)
      %add3A_199 = arith.constant 2 : i32
      %add3A_200 = arith.addi %add3A_152, %add3A_199 : i32
      %lt3A_201 = arith.constant 200 : i32
      %lt3A_202 = arith.cmpi slt, %add3A_200, %lt3A_201 : i32
      %convert_element_type3A_203 = arith.extui %lt3A_202 : i1 to i32
      %cond3A_204 = arith.constant 0 : i32
      %cond3A_205 = arith.cmpi ne, %convert_element_type3A_203, %cond3A_204 : i32
      scf.if %cond3A_205 {
        %add3A_261 = arith.constant 2 : i32
        %add3A_262 = arith.addi %add3A_152, %add3A_261 : i32
        %dma_start3A_263 = arith.constant 0 : i32
        %dma_start3A_264 = arith.constant 0 : i32
        %dma_start3A_265 = arith.constant 0 : i32
        %dma_start3A_266 = tpu.memref_slice %arg6[%dma_start3A_263, %dma_start3A_264, %dma_start3A_265] : memref<4x128x64xf32, #tpu.memory_space<vmem>> -> memref<1x128x64xf32, #tpu.memory_space<vmem>>
        %dma_start3A_267 = tpu.memref_squeeze %dma_start3A_266 : memref<1x128x64xf32, #tpu.memory_space<vmem>> -> memref<128x64xf32, #tpu.memory_space<vmem>>
        %dma_start3A_268 = arith.constant 0 : i32
        %dma_start3A_269 = tpu.memref_slice %arg5[%add3A_262, %dma_start3A_268] : memref<200x128xi32, #tpu.memory_space<vmem>> -> memref<1x128xi32, #tpu.memory_space<vmem>>
        %dma_start3A_270 = tpu.memref_squeeze %dma_start3A_269 : memref<1x128xi32, #tpu.memory_space<vmem>> -> memref<128xi32, #tpu.memory_space<vmem>>
        %dma_start3A_271 = arith.constant 0 : i32
        %dma_start3A_272 = arith.constant 0 : i32
        %dma_start3A_273 = tpu.memref_slice %arg3[%dma_start3A_271, %dma_start3A_272] : memref<1000000x64xf32, #tpu.memory_space<hbm>> -> memref<1000000x64xf32, #tpu.memory_space<hbm>>
        tpu.enqueue_indirect_dma source(%dma_start3A_273 : memref<1000000x64xf32, #tpu.memory_space<hbm>>) target(%dma_start3A_267 : memref<128x64xf32, #tpu.memory_space<vmem>>) offsets(%dma_start3A_270 : memref<128xi32, #tpu.memory_space<vmem>>) semaphore(%arg7 : memref<!tpu.dma_semaphore, #tpu.memory_space<semaphore_mem>>)
      } else {
      }
      %add3A_206 = arith.constant 3 : i32
      %add3A_207 = arith.addi %mul3A_60, %add3A_206 : i32
      %dma_wait3A_208 = arith.constant 3 : i32
      %dma_wait3A_209 = arith.constant 0 : i32
      %dma_wait3A_210 = arith.constant 0 : i32
      %dma_wait3A_211 = tpu.memref_slice %arg6[%dma_wait3A_208, %dma_wait3A_209, %dma_wait3A_210] : memref<4x128x64xf32, #tpu.memory_space<vmem>> -> memref<1x128x64xf32, #tpu.memory_space<vmem>>
      %dma_wait3A_212 = tpu.memref_squeeze %dma_wait3A_211 : memref<1x128x64xf32, #tpu.memory_space<vmem>> -> memref<128x64xf32, #tpu.memory_space<vmem>>
      %dma_wait3A_213 = arith.constant 0 : i32
      %dma_wait3A_214 = tpu.memref_slice %arg5[%add3A_207, %dma_wait3A_213] : memref<200x128xi32, #tpu.memory_space<vmem>> -> memref<1x128xi32, #tpu.memory_space<vmem>>
      %dma_wait3A_215 = tpu.memref_squeeze %dma_wait3A_214 : memref<1x128xi32, #tpu.memory_space<vmem>> -> memref<128xi32, #tpu.memory_space<vmem>>
      %dma_wait3A_216 = arith.constant 0 : i32
      %dma_wait3A_217 = arith.constant 0 : i32
      %dma_wait3A_218 = tpu.memref_slice %arg3[%dma_wait3A_216, %dma_wait3A_217] : memref<1000000x64xf32, #tpu.memory_space<hbm>> -> memref<1000000x64xf32, #tpu.memory_space<hbm>>
      tpu.wait_indirect_dma semaphore(%arg10 : memref<!tpu.dma_semaphore, #tpu.memory_space<semaphore_mem>>) src(%dma_wait3A_218 : memref<1000000x64xf32, #tpu.memory_space<hbm>>) dst(%dma_wait3A_212 : memref<128x64xf32, #tpu.memory_space<vmem>>)
      %scan3A_219 = arith.constant 0 : i32
      %scan3A_220 = arith.constant 0 : i32
      %scan3A_221 = arith.constant 128 : i32
      %scan3A_222 = arith.addi %scan3A_220, %scan3A_221 : i32
      %scan3A_223 = arith.constant 4 : i32
      scf.for %scan3A_261 = %scan3A_220 to %scan3A_222 step %scan3A_223  : i32 {
        %get3A = arith.constant 3 : i32
        %get3A_262 = arith.index_cast %get3A : i32 to index
        %get3A_263 = arith.index_cast %scan3A_261 : i32 to index
        %get3A_264 = arith.constant 0 : index
        %get3A_265 = tpu.vector_load %arg6[%get3A_262, %get3A_263, %get3A_264] {strides = array<i32>} : memref<4x128x64xf32, #tpu.memory_space<vmem>>, vector<16xf32>,
        %mul3A_266 = arith.constant 8.000000e+00 : f32
        %mul3A_267 = vector.broadcast %mul3A_266 : f32 to vector<16xf32>
        %mul3A_268 = arith.mulf %get3A_265, %mul3A_267 : vector<16xf32>
        %swap3A = arith.constant 3 : i32
        %swap3A_269 = arith.index_cast %swap3A : i32 to index
        %swap3A_270 = arith.index_cast %scan3A_261 : i32 to index
        %swap3A_271 = arith.constant 0 : index
        %swap3A_272 = tpu.vector_load %arg6[%swap3A_269, %swap3A_270, %swap3A_271] {strides = array<i32>} : memref<4x128x64xf32, #tpu.memory_space<vmem>>, vector<16xf32>,
        tpu.vector_store %arg6[%swap3A_269, %swap3A_270, %swap3A_271], %mul3A_268 {strides = array<i32>} : memref<4x128x64xf32, #tpu.memory_space<vmem>>, vector<16xf32>,
        %get3A_273 = arith.constant 3 : i32
        %get3A_274 = arith.index_cast %get3A_273 : i32 to index
        %get3A_275 = arith.index_cast %scan3A_261 : i32 to index
        %get3A_276 = arith.constant 16 : index
        %get3A_277 = tpu.vector_load %arg6[%get3A_274, %get3A_275, %get3A_276] {strides = array<i32>} : memref<4x128x64xf32, #tpu.memory_space<vmem>>, vector<16xf32>,
        %mul3A_278 = arith.constant 8.000000e+00 : f32
        %mul3A_279 = vector.broadcast %mul3A_278 : f32 to vector<16xf32>
        %mul3A_280 = arith.mulf %get3A_277, %mul3A_279 : vector<16xf32>
        %swap3A_281 = arith.constant 3 : i32
        %swap3A_282 = arith.index_cast %swap3A_281 : i32 to index
        %swap3A_283 = arith.index_cast %scan3A_261 : i32 to index
        %swap3A_284 = arith.constant 16 : index
        %swap3A_285 = tpu.vector_load %arg6[%swap3A_282, %swap3A_283, %swap3A_284] {strides = array<i32>} : memref<4x128x64xf32, #tpu.memory_space<vmem>>, vector<16xf32>,
        tpu.vector_store %arg6[%swap3A_282, %swap3A_283, %swap3A_284], %mul3A_280 {strides = array<i32>} : memref<4x128x64xf32, #tpu.memory_space<vmem>>, vector<16xf32>,
        %get3A_286 = arith.constant 3 : i32
        %get3A_287 = arith.index_cast %get3A_286 : i32 to index
        %get3A_288 = arith.index_cast %scan3A_261 : i32 to index
        %get3A_289 = arith.constant 32 : index
        %get3A_290 = tpu.vector_load %arg6[%get3A_287, %get3A_288, %get3A_289] {strides = array<i32>} : memref<4x128x64xf32, #tpu.memory_space<vmem>>, vector<16xf32>,
        %mul3A_291 = arith.constant 8.000000e+00 : f32
        %mul3A_292 = vector.broadcast %mul3A_291 : f32 to vector<16xf32>
        %mul3A_293 = arith.mulf %get3A_290, %mul3A_292 : vector<16xf32>
        %swap3A_294 = arith.constant 3 : i32
        %swap3A_295 = arith.index_cast %swap3A_294 : i32 to index
        %swap3A_296 = arith.index_cast %scan3A_261 : i32 to index
        %swap3A_297 = arith.constant 32 : index
        %swap3A_298 = tpu.vector_load %arg6[%swap3A_295, %swap3A_296, %swap3A_297] {strides = array<i32>} : memref<4x128x64xf32, #tpu.memory_space<vmem>>, vector<16xf32>,
        tpu.vector_store %arg6[%swap3A_295, %swap3A_296, %swap3A_297], %mul3A_293 {strides = array<i32>} : memref<4x128x64xf32, #tpu.memory_space<vmem>>, vector<16xf32>,
        %get3A_299 = arith.constant 3 : i32
        %get3A_300 = arith.index_cast %get3A_299 : i32 to index
        %get3A_301 = arith.index_cast %scan3A_261 : i32 to index
        %get3A_302 = arith.constant 48 : index
        %get3A_303 = tpu.vector_load %arg6[%get3A_300, %get3A_301, %get3A_302] {strides = array<i32>} : memref<4x128x64xf32, #tpu.memory_space<vmem>>, vector<16xf32>,
        %mul3A_304 = arith.constant 8.000000e+00 : f32
        %mul3A_305 = vector.broadcast %mul3A_304 : f32 to vector<16xf32>
        %mul3A_306 = arith.mulf %get3A_303, %mul3A_305 : vector<16xf32>
        %swap3A_307 = arith.constant 3 : i32
        %swap3A_308 = arith.index_cast %swap3A_307 : i32 to index
        %swap3A_309 = arith.index_cast %scan3A_261 : i32 to index
        %swap3A_310 = arith.constant 48 : index
        %swap3A_311 = tpu.vector_load %arg6[%swap3A_308, %swap3A_309, %swap3A_310] {strides = array<i32>} : memref<4x128x64xf32, #tpu.memory_space<vmem>>, vector<16xf32>,
        tpu.vector_store %arg6[%swap3A_308, %swap3A_309, %swap3A_310], %mul3A_306 {strides = array<i32>} : memref<4x128x64xf32, #tpu.memory_space<vmem>>, vector<16xf32>,
        %scan3A_312 = arith.constant 1 : i32
        %scan3A_313 = arith.addi %scan3A_261, %scan3A_312 : i32
        %get3A_314 = arith.constant 3 : i32
        %get3A_315 = arith.index_cast %get3A_314 : i32 to index
        %get3A_316 = arith.index_cast %scan3A_313 : i32 to index
        %get3A_317 = arith.constant 0 : index
        %get3A_318 = tpu.vector_load %arg6[%get3A_315, %get3A_316, %get3A_317] {strides = array<i32>} : memref<4x128x64xf32, #tpu.memory_space<vmem>>, vector<16xf32>,
        %mul3A_319 = arith.constant 8.000000e+00 : f32
        %mul3A_320 = vector.broadcast %mul3A_319 : f32 to vector<16xf32>
        %mul3A_321 = arith.mulf %get3A_318, %mul3A_320 : vector<16xf32>
        %swap3A_322 = arith.constant 3 : i32
        %swap3A_323 = arith.index_cast %swap3A_322 : i32 to index
        %swap3A_324 = arith.index_cast %scan3A_313 : i32 to index
        %swap3A_325 = arith.constant 0 : index
        %swap3A_326 = tpu.vector_load %arg6[%swap3A_323, %swap3A_324, %swap3A_325] {strides = array<i32>} : memref<4x128x64xf32, #tpu.memory_space<vmem>>, vector<16xf32>,
        tpu.vector_store %arg6[%swap3A_323, %swap3A_324, %swap3A_325], %mul3A_321 {strides = array<i32>} : memref<4x128x64xf32, #tpu.memory_space<vmem>>, vector<16xf32>,
        %get3A_327 = arith.constant 3 : i32
        %get3A_328 = arith.index_cast %get3A_327 : i32 to index
        %get3A_329 = arith.index_cast %scan3A_313 : i32 to index
        %get3A_330 = arith.constant 16 : index
        %get3A_331 = tpu.vector_load %arg6[%get3A_328, %get3A_329, %get3A_330] {strides = array<i32>} : memref<4x128x64xf32, #tpu.memory_space<vmem>>, vector<16xf32>,
        %mul3A_332 = arith.constant 8.000000e+00 : f32
        %mul3A_333 = vector.broadcast %mul3A_332 : f32 to vector<16xf32>
        %mul3A_334 = arith.mulf %get3A_331, %mul3A_333 : vector<16xf32>
        %swap3A_335 = arith.constant 3 : i32
        %swap3A_336 = arith.index_cast %swap3A_335 : i32 to index
        %swap3A_337 = arith.index_cast %scan3A_313 : i32 to index
        %swap3A_338 = arith.constant 16 : index
        %swap3A_339 = tpu.vector_load %arg6[%swap3A_336, %swap3A_337, %swap3A_338] {strides = array<i32>} : memref<4x128x64xf32, #tpu.memory_space<vmem>>, vector<16xf32>,
        tpu.vector_store %arg6[%swap3A_336, %swap3A_337, %swap3A_338], %mul3A_334 {strides = array<i32>} : memref<4x128x64xf32, #tpu.memory_space<vmem>>, vector<16xf32>,
        %get3A_340 = arith.constant 3 : i32
        %get3A_341 = arith.index_cast %get3A_340 : i32 to index
        %get3A_342 = arith.index_cast %scan3A_313 : i32 to index
        %get3A_343 = arith.constant 32 : index
        %get3A_344 = tpu.vector_load %arg6[%get3A_341, %get3A_342, %get3A_343] {strides = array<i32>} : memref<4x128x64xf32, #tpu.memory_space<vmem>>, vector<16xf32>,
        %mul3A_345 = arith.constant 8.000000e+00 : f32
        %mul3A_346 = vector.broadcast %mul3A_345 : f32 to vector<16xf32>
        %mul3A_347 = arith.mulf %get3A_344, %mul3A_346 : vector<16xf32>
        %swap3A_348 = arith.constant 3 : i32
        %swap3A_349 = arith.index_cast %swap3A_348 : i32 to index
        %swap3A_350 = arith.index_cast %scan3A_313 : i32 to index
        %swap3A_351 = arith.constant 32 : index
        %swap3A_352 = tpu.vector_load %arg6[%swap3A_349, %swap3A_350, %swap3A_351] {strides = array<i32>} : memref<4x128x64xf32, #tpu.memory_space<vmem>>, vector<16xf32>,
        tpu.vector_store %arg6[%swap3A_349, %swap3A_350, %swap3A_351], %mul3A_347 {strides = array<i32>} : memref<4x128x64xf32, #tpu.memory_space<vmem>>, vector<16xf32>,
        %get3A_353 = arith.constant 3 : i32
        %get3A_354 = arith.index_cast %get3A_353 : i32 to index
        %get3A_355 = arith.index_cast %scan3A_313 : i32 to index
        %get3A_356 = arith.constant 48 : index
        %get3A_357 = tpu.vector_load %arg6[%get3A_354, %get3A_355, %get3A_356] {strides = array<i32>} : memref<4x128x64xf32, #tpu.memory_space<vmem>>, vector<16xf32>,
        %mul3A_358 = arith.constant 8.000000e+00 : f32
        %mul3A_359 = vector.broadcast %mul3A_358 : f32 to vector<16xf32>
        %mul3A_360 = arith.mulf %get3A_357, %mul3A_359 : vector<16xf32>
        %swap3A_361 = arith.constant 3 : i32
        %swap3A_362 = arith.index_cast %swap3A_361 : i32 to index
        %swap3A_363 = arith.index_cast %scan3A_313 : i32 to index
        %swap3A_364 = arith.constant 48 : index
        %swap3A_365 = tpu.vector_load %arg6[%swap3A_362, %swap3A_363, %swap3A_364] {strides = array<i32>} : memref<4x128x64xf32, #tpu.memory_space<vmem>>, vector<16xf32>,
        tpu.vector_store %arg6[%swap3A_362, %swap3A_363, %swap3A_364], %mul3A_360 {strides = array<i32>} : memref<4x128x64xf32, #tpu.memory_space<vmem>>, vector<16xf32>,
        %scan3A_366 = arith.constant 2 : i32
        %scan3A_367 = arith.addi %scan3A_261, %scan3A_366 : i32
        %get3A_368 = arith.constant 3 : i32
        %get3A_369 = arith.index_cast %get3A_368 : i32 to index
        %get3A_370 = arith.index_cast %scan3A_367 : i32 to index
        %get3A_371 = arith.constant 0 : index
        %get3A_372 = tpu.vector_load %arg6[%get3A_369, %get3A_370, %get3A_371] {strides = array<i32>} : memref<4x128x64xf32, #tpu.memory_space<vmem>>, vector<16xf32>,
        %mul3A_373 = arith.constant 8.000000e+00 : f32
        %mul3A_374 = vector.broadcast %mul3A_373 : f32 to vector<16xf32>
        %mul3A_375 = arith.mulf %get3A_372, %mul3A_374 : vector<16xf32>
        %swap3A_376 = arith.constant 3 : i32
        %swap3A_377 = arith.index_cast %swap3A_376 : i32 to index
        %swap3A_378 = arith.index_cast %scan3A_367 : i32 to index
        %swap3A_379 = arith.constant 0 : index
        %swap3A_380 = tpu.vector_load %arg6[%swap3A_377, %swap3A_378, %swap3A_379] {strides = array<i32>} : memref<4x128x64xf32, #tpu.memory_space<vmem>>, vector<16xf32>,
        tpu.vector_store %arg6[%swap3A_377, %swap3A_378, %swap3A_379], %mul3A_375 {strides = array<i32>} : memref<4x128x64xf32, #tpu.memory_space<vmem>>, vector<16xf32>,
        %get3A_381 = arith.constant 3 : i32
        %get3A_382 = arith.index_cast %get3A_381 : i32 to index
        %get3A_383 = arith.index_cast %scan3A_367 : i32 to index
        %get3A_384 = arith.constant 16 : index
        %get3A_385 = tpu.vector_load %arg6[%get3A_382, %get3A_383, %get3A_384] {strides = array<i32>} : memref<4x128x64xf32, #tpu.memory_space<vmem>>, vector<16xf32>,
        %mul3A_386 = arith.constant 8.000000e+00 : f32
        %mul3A_387 = vector.broadcast %mul3A_386 : f32 to vector<16xf32>
        %mul3A_388 = arith.mulf %get3A_385, %mul3A_387 : vector<16xf32>
        %swap3A_389 = arith.constant 3 : i32
        %swap3A_390 = arith.index_cast %swap3A_389 : i32 to index
        %swap3A_391 = arith.index_cast %scan3A_367 : i32 to index
        %swap3A_392 = arith.constant 16 : index
        %swap3A_393 = tpu.vector_load %arg6[%swap3A_390, %swap3A_391, %swap3A_392] {strides = array<i32>} : memref<4x128x64xf32, #tpu.memory_space<vmem>>, vector<16xf32>,
        tpu.vector_store %arg6[%swap3A_390, %swap3A_391, %swap3A_392], %mul3A_388 {strides = array<i32>} : memref<4x128x64xf32, #tpu.memory_space<vmem>>, vector<16xf32>,
        %get3A_394 = arith.constant 3 : i32
        %get3A_395 = arith.index_cast %get3A_394 : i32 to index
        %get3A_396 = arith.index_cast %scan3A_367 : i32 to index
        %get3A_397 = arith.constant 32 : index
        %get3A_398 = tpu.vector_load %arg6[%get3A_395, %get3A_396, %get3A_397] {strides = array<i32>} : memref<4x128x64xf32, #tpu.memory_space<vmem>>, vector<16xf32>,
        %mul3A_399 = arith.constant 8.000000e+00 : f32
        %mul3A_400 = vector.broadcast %mul3A_399 : f32 to vector<16xf32>
        %mul3A_401 = arith.mulf %get3A_398, %mul3A_400 : vector<16xf32>
        %swap3A_402 = arith.constant 3 : i32
        %swap3A_403 = arith.index_cast %swap3A_402 : i32 to index
        %swap3A_404 = arith.index_cast %scan3A_367 : i32 to index
        %swap3A_405 = arith.constant 32 : index
        %swap3A_406 = tpu.vector_load %arg6[%swap3A_403, %swap3A_404, %swap3A_405] {strides = array<i32>} : memref<4x128x64xf32, #tpu.memory_space<vmem>>, vector<16xf32>,
        tpu.vector_store %arg6[%swap3A_403, %swap3A_404, %swap3A_405], %mul3A_401 {strides = array<i32>} : memref<4x128x64xf32, #tpu.memory_space<vmem>>, vector<16xf32>,
        %get3A_407 = arith.constant 3 : i32
        %get3A_408 = arith.index_cast %get3A_407 : i32 to index
        %get3A_409 = arith.index_cast %scan3A_367 : i32 to index
        %get3A_410 = arith.constant 48 : index
        %get3A_411 = tpu.vector_load %arg6[%get3A_408, %get3A_409, %get3A_410] {strides = array<i32>} : memref<4x128x64xf32, #tpu.memory_space<vmem>>, vector<16xf32>,
        %mul3A_412 = arith.constant 8.000000e+00 : f32
        %mul3A_413 = vector.broadcast %mul3A_412 : f32 to vector<16xf32>
        %mul3A_414 = arith.mulf %get3A_411, %mul3A_413 : vector<16xf32>
        %swap3A_415 = arith.constant 3 : i32
        %swap3A_416 = arith.index_cast %swap3A_415 : i32 to index
        %swap3A_417 = arith.index_cast %scan3A_367 : i32 to index
        %swap3A_418 = arith.constant 48 : index
        %swap3A_419 = tpu.vector_load %arg6[%swap3A_416, %swap3A_417, %swap3A_418] {strides = array<i32>} : memref<4x128x64xf32, #tpu.memory_space<vmem>>, vector<16xf32>,
        tpu.vector_store %arg6[%swap3A_416, %swap3A_417, %swap3A_418], %mul3A_414 {strides = array<i32>} : memref<4x128x64xf32, #tpu.memory_space<vmem>>, vector<16xf32>,
        %scan3A_420 = arith.constant 3 : i32
        %scan3A_421 = arith.addi %scan3A_261, %scan3A_420 : i32
        %get3A_422 = arith.constant 3 : i32
        %get3A_423 = arith.index_cast %get3A_422 : i32 to index
        %get3A_424 = arith.index_cast %scan3A_421 : i32 to index
        %get3A_425 = arith.constant 0 : index
        %get3A_426 = tpu.vector_load %arg6[%get3A_423, %get3A_424, %get3A_425] {strides = array<i32>} : memref<4x128x64xf32, #tpu.memory_space<vmem>>, vector<16xf32>,
        %mul3A_427 = arith.constant 8.000000e+00 : f32
        %mul3A_428 = vector.broadcast %mul3A_427 : f32 to vector<16xf32>
        %mul3A_429 = arith.mulf %get3A_426, %mul3A_428 : vector<16xf32>
        %swap3A_430 = arith.constant 3 : i32
        %swap3A_431 = arith.index_cast %swap3A_430 : i32 to index
        %swap3A_432 = arith.index_cast %scan3A_421 : i32 to index
        %swap3A_433 = arith.constant 0 : index
        %swap3A_434 = tpu.vector_load %arg6[%swap3A_431, %swap3A_432, %swap3A_433] {strides = array<i32>} : memref<4x128x64xf32, #tpu.memory_space<vmem>>, vector<16xf32>,
        tpu.vector_store %arg6[%swap3A_431, %swap3A_432, %swap3A_433], %mul3A_429 {strides = array<i32>} : memref<4x128x64xf32, #tpu.memory_space<vmem>>, vector<16xf32>,
        %get3A_435 = arith.constant 3 : i32
        %get3A_436 = arith.index_cast %get3A_435 : i32 to index
        %get3A_437 = arith.index_cast %scan3A_421 : i32 to index
        %get3A_438 = arith.constant 16 : index
        %get3A_439 = tpu.vector_load %arg6[%get3A_436, %get3A_437, %get3A_438] {strides = array<i32>} : memref<4x128x64xf32, #tpu.memory_space<vmem>>, vector<16xf32>,
        %mul3A_440 = arith.constant 8.000000e+00 : f32
        %mul3A_441 = vector.broadcast %mul3A_440 : f32 to vector<16xf32>
        %mul3A_442 = arith.mulf %get3A_439, %mul3A_441 : vector<16xf32>
        %swap3A_443 = arith.constant 3 : i32
        %swap3A_444 = arith.index_cast %swap3A_443 : i32 to index
        %swap3A_445 = arith.index_cast %scan3A_421 : i32 to index
        %swap3A_446 = arith.constant 16 : index
        %swap3A_447 = tpu.vector_load %arg6[%swap3A_444, %swap3A_445, %swap3A_446] {strides = array<i32>} : memref<4x128x64xf32, #tpu.memory_space<vmem>>, vector<16xf32>,
        tpu.vector_store %arg6[%swap3A_444, %swap3A_445, %swap3A_446], %mul3A_442 {strides = array<i32>} : memref<4x128x64xf32, #tpu.memory_space<vmem>>, vector<16xf32>,
        %get3A_448 = arith.constant 3 : i32
        %get3A_449 = arith.index_cast %get3A_448 : i32 to index
        %get3A_450 = arith.index_cast %scan3A_421 : i32 to index
        %get3A_451 = arith.constant 32 : index
        %get3A_452 = tpu.vector_load %arg6[%get3A_449, %get3A_450, %get3A_451] {strides = array<i32>} : memref<4x128x64xf32, #tpu.memory_space<vmem>>, vector<16xf32>,
        %mul3A_453 = arith.constant 8.000000e+00 : f32
        %mul3A_454 = vector.broadcast %mul3A_453 : f32 to vector<16xf32>
        %mul3A_455 = arith.mulf %get3A_452, %mul3A_454 : vector<16xf32>
        %swap3A_456 = arith.constant 3 : i32
        %swap3A_457 = arith.index_cast %swap3A_456 : i32 to index
        %swap3A_458 = arith.index_cast %scan3A_421 : i32 to index
        %swap3A_459 = arith.constant 32 : index
        %swap3A_460 = tpu.vector_load %arg6[%swap3A_457, %swap3A_458, %swap3A_459] {strides = array<i32>} : memref<4x128x64xf32, #tpu.memory_space<vmem>>, vector<16xf32>,
        tpu.vector_store %arg6[%swap3A_457, %swap3A_458, %swap3A_459], %mul3A_455 {strides = array<i32>} : memref<4x128x64xf32, #tpu.memory_space<vmem>>, vector<16xf32>,
        %get3A_461 = arith.constant 3 : i32
        %get3A_462 = arith.index_cast %get3A_461 : i32 to index
        %get3A_463 = arith.index_cast %scan3A_421 : i32 to index
        %get3A_464 = arith.constant 48 : index
        %get3A_465 = tpu.vector_load %arg6[%get3A_462, %get3A_463, %get3A_464] {strides = array<i32>} : memref<4x128x64xf32, #tpu.memory_space<vmem>>, vector<16xf32>,
        %mul3A_466 = arith.constant 8.000000e+00 : f32
        %mul3A_467 = vector.broadcast %mul3A_466 : f32 to vector<16xf32>
        %mul3A_468 = arith.mulf %get3A_465, %mul3A_467 : vector<16xf32>
        %swap3A_469 = arith.constant 3 : i32
        %swap3A_470 = arith.index_cast %swap3A_469 : i32 to index
        %swap3A_471 = arith.index_cast %scan3A_421 : i32 to index
        %swap3A_472 = arith.constant 48 : index
        %swap3A_473 = tpu.vector_load %arg6[%swap3A_470, %swap3A_471, %swap3A_472] {strides = array<i32>} : memref<4x128x64xf32, #tpu.memory_space<vmem>>, vector<16xf32>,
        tpu.vector_store %arg6[%swap3A_470, %swap3A_471, %swap3A_472], %mul3A_468 {strides = array<i32>} : memref<4x128x64xf32, #tpu.memory_space<vmem>>, vector<16xf32>,
      }
      %scan3A_224 = arith.constant 128 : i32
      %mul3A_225 = arith.constant 128 : i32
      %mul3A_226 = arith.muli %add3A_207, %mul3A_225 : i32
      %add3A_227 = arith.addi %mul3A_4, %mul3A_226 : i32
      %dma_start3A_228 = arith.constant 3 : i32
      %dma_start3A_229 = arith.constant 0 : i32
      %dma_start3A_230 = arith.constant 0 : i32
      %dma_start3A_231 = tpu.memref_slice %arg6[%dma_start3A_228, %dma_start3A_229, %dma_start3A_230] : memref<4x128x64xf32, #tpu.memory_space<vmem>> -> memref<1x128x64xf32, #tpu.memory_space<vmem>>
      %dma_start3A_232 = tpu.memref_squeeze %dma_start3A_231 : memref<1x128x64xf32, #tpu.memory_space<vmem>> -> memref<128x64xf32, #tpu.memory_space<vmem>>
      %dma_start3A_233 = arith.constant 0 : i32
      %dma_start3A_234 = tpu.memref_slice %arg4[%add3A_227, %dma_start3A_233] : memref<819200x128xf32, #tpu.memory_space<hbm>> -> memref<128x64xf32, #tpu.memory_space<hbm>>
      %dma_start3A_235 = arith.constant 0 : i32
      %dma_start3A_236 = tpu.memref_slice %arg4[%add3A_227, %dma_start3A_235] : memref<819200x128xf32, #tpu.memory_space<hbm>> -> memref<128x64xf32, #tpu.memory_space<hbm>>
      %dma_start3A_237 = arith.constant 0 : i32
      %dma_start3A_238 = arith.constant 0 : i32
      %dma_start3A_239 = tpu.memref_slice %arg6[%dma_start3A_228, %dma_start3A_237, %dma_start3A_238] : memref<4x128x64xf32, #tpu.memory_space<vmem>> -> memref<1x128x64xf32, #tpu.memory_space<vmem>>
      %dma_start3A_240 = tpu.memref_squeeze %dma_start3A_239 : memref<1x128x64xf32, #tpu.memory_space<vmem>> -> memref<128x64xf32, #tpu.memory_space<vmem>>
      tpu.enqueue_dma source(%dma_start3A_240 : memref<128x64xf32, #tpu.memory_space<vmem>>) target(%dma_start3A_236 : memref<128x64xf32, #tpu.memory_space<hbm>>) target_semaphore(%arg14 : memref<!tpu.dma_semaphore, #tpu.memory_space<semaphore_mem>>)
      %dma_wait3A_241 = arith.constant 1 : i32
      %dma_wait3A_242 = arith.constant 0 : i32
      %dma_wait3A_243 = arith.constant 0 : i32
      %dma_wait3A_244 = tpu.memref_slice %arg6[%dma_wait3A_241, %dma_wait3A_242, %dma_wait3A_243] : memref<4x128x64xf32, #tpu.memory_space<vmem>> -> memref<1x128x64xf32, #tpu.memory_space<vmem>>
      %dma_wait3A_245 = tpu.memref_squeeze %dma_wait3A_244 : memref<1x128x64xf32, #tpu.memory_space<vmem>> -> memref<128x64xf32, #tpu.memory_space<vmem>>
      %dma_wait3A_246 = arith.constant 0 : i32
      %dma_wait3A_247 = tpu.memref_slice %arg4[%mul3A_4, %dma_wait3A_246] : memref<819200x128xf32, #tpu.memory_space<hbm>> -> memref<128x64xf32, #tpu.memory_space<hbm>>
      %dma_wait3A_248 = arith.constant 0 : i32
      %dma_wait3A_249 = tpu.memref_slice %arg4[%mul3A_4, %dma_wait3A_248] : memref<819200x128xf32, #tpu.memory_space<hbm>> -> memref<128x64xf32, #tpu.memory_space<hbm>>
      %dma_wait3A_250 = arith.constant 0 : i32
      %dma_wait3A_251 = arith.constant 0 : i32
      %dma_wait3A_252 = tpu.memref_slice %arg6[%dma_wait3A_241, %dma_wait3A_250, %dma_wait3A_251] : memref<4x128x64xf32, #tpu.memory_space<vmem>> -> memref<1x128x64xf32, #tpu.memory_space<vmem>>
      %dma_wait3A_253 = tpu.memref_squeeze %dma_wait3A_252 : memref<1x128x64xf32, #tpu.memory_space<vmem>> -> memref<128x64xf32, #tpu.memory_space<vmem>>
      tpu.wait_dma2 semaphore(%arg12 : memref<!tpu.dma_semaphore, #tpu.memory_space<semaphore_mem>>) src(%dma_wait3A_253 : memref<128x64xf32, #tpu.memory_space<vmem>>) dst(%dma_wait3A_249 : memref<128x64xf32, #tpu.memory_space<hbm>>)
      %add3A_254 = arith.constant 2 : i32
      %add3A_255 = arith.addi %add3A_207, %add3A_254 : i32
      %lt3A_256 = arith.constant 200 : i32
      %lt3A_257 = arith.cmpi slt, %add3A_255, %lt3A_256 : i32
      %convert_element_type3A_258 = arith.extui %lt3A_257 : i1 to i32
      %cond3A_259 = arith.constant 0 : i32
      %cond3A_260 = arith.cmpi ne, %convert_element_type3A_258, %cond3A_259 : i32
      scf.if %cond3A_260 {
        %add3A_261 = arith.constant 2 : i32
        %add3A_262 = arith.addi %add3A_207, %add3A_261 : i32
        %dma_start3A_263 = arith.constant 1 : i32
        %dma_start3A_264 = arith.constant 0 : i32
        %dma_start3A_265 = arith.constant 0 : i32
        %dma_start3A_266 = tpu.memref_slice %arg6[%dma_start3A_263, %dma_start3A_264, %dma_start3A_265] : memref<4x128x64xf32, #tpu.memory_space<vmem>> -> memref<1x128x64xf32, #tpu.memory_space<vmem>>
        %dma_start3A_267 = tpu.memref_squeeze %dma_start3A_266 : memref<1x128x64xf32, #tpu.memory_space<vmem>> -> memref<128x64xf32, #tpu.memory_space<vmem>>
        %dma_start3A_268 = arith.constant 0 : i32
        %dma_start3A_269 = tpu.memref_slice %arg5[%add3A_262, %dma_start3A_268] : memref<200x128xi32, #tpu.memory_space<vmem>> -> memref<1x128xi32, #tpu.memory_space<vmem>>
        %dma_start3A_270 = tpu.memref_squeeze %dma_start3A_269 : memref<1x128xi32, #tpu.memory_space<vmem>> -> memref<128xi32, #tpu.memory_space<vmem>>
        %dma_start3A_271 = arith.constant 0 : i32
        %dma_start3A_272 = arith.constant 0 : i32
        %dma_start3A_273 = tpu.memref_slice %arg3[%dma_start3A_271, %dma_start3A_272] : memref<1000000x64xf32, #tpu.memory_space<hbm>> -> memref<1000000x64xf32, #tpu.memory_space<hbm>>
        tpu.enqueue_indirect_dma source(%dma_start3A_273 : memref<1000000x64xf32, #tpu.memory_space<hbm>>) target(%dma_start3A_267 : memref<128x64xf32, #tpu.memory_space<vmem>>) offsets(%dma_start3A_270 : memref<128xi32, #tpu.memory_space<vmem>>) semaphore(%arg8 : memref<!tpu.dma_semaphore, #tpu.memory_space<semaphore_mem>>)
      } else {
      }
    }
    %scan3A_32 = arith.constant 50 : i32
    %dma_wait3A = arith.constant 2 : i32
    %dma_wait3A_33 = arith.constant 0 : i32
    %dma_wait3A_34 = arith.constant 0 : i32
    %dma_wait3A_35 = tpu.memref_slice %arg6[%dma_wait3A, %dma_wait3A_33, %dma_wait3A_34] : memref<4x128x64xf32, #tpu.memory_space<vmem>> -> memref<1x128x64xf32, #tpu.memory_space<vmem>>
    %dma_wait3A_36 = tpu.memref_squeeze %dma_wait3A_35 : memref<1x128x64xf32, #tpu.memory_space<vmem>> -> memref<128x64xf32, #tpu.memory_space<vmem>>
    %dma_wait3A_37 = arith.constant 0 : i32
    %dma_wait3A_38 = tpu.memref_slice %arg4[%mul3A_4, %dma_wait3A_37] : memref<819200x128xf32, #tpu.memory_space<hbm>> -> memref<128x64xf32, #tpu.memory_space<hbm>>
    %dma_wait3A_39 = arith.constant 0 : i32
    %dma_wait3A_40 = tpu.memref_slice %arg4[%mul3A_4, %dma_wait3A_39] : memref<819200x128xf32, #tpu.memory_space<hbm>> -> memref<128x64xf32, #tpu.memory_space<hbm>>
    %dma_wait3A_41 = arith.constant 0 : i32
    %dma_wait3A_42 = arith.constant 0 : i32
    %dma_wait3A_43 = tpu.memref_slice %arg6[%dma_wait3A, %dma_wait3A_41, %dma_wait3A_42] : memref<4x128x64xf32, #tpu.memory_space<vmem>> -> memref<1x128x64xf32, #tpu.memory_space<vmem>>
    %dma_wait3A_44 = tpu.memref_squeeze %dma_wait3A_43 : memref<1x128x64xf32, #tpu.memory_space<vmem>> -> memref<128x64xf32, #tpu.memory_space<vmem>>
    tpu.wait_dma2 semaphore(%arg13 : memref<!tpu.dma_semaphore, #tpu.memory_space<semaphore_mem>>) src(%dma_wait3A_44 : memref<128x64xf32, #tpu.memory_space<vmem>>) dst(%dma_wait3A_40 : memref<128x64xf32, #tpu.memory_space<hbm>>)
    %dma_wait3A_45 = arith.constant 3 : i32
    %dma_wait3A_46 = arith.constant 0 : i32
    %dma_wait3A_47 = arith.constant 0 : i32
    %dma_wait3A_48 = tpu.memref_slice %arg6[%dma_wait3A_45, %dma_wait3A_46, %dma_wait3A_47] : memref<4x128x64xf32, #tpu.memory_space<vmem>> -> memref<1x128x64xf32, #tpu.memory_space<vmem>>
    %dma_wait3A_49 = tpu.memref_squeeze %dma_wait3A_48 : memref<1x128x64xf32, #tpu.memory_space<vmem>> -> memref<128x64xf32, #tpu.memory_space<vmem>>
    %dma_wait3A_50 = arith.constant 0 : i32
    %dma_wait3A_51 = tpu.memref_slice %arg4[%mul3A_4, %dma_wait3A_50] : memref<819200x128xf32, #tpu.memory_space<hbm>> -> memref<128x64xf32, #tpu.memory_space<hbm>>
    %dma_wait3A_52 = arith.constant 0 : i32
    %dma_wait3A_53 = tpu.memref_slice %arg4[%mul3A_4, %dma_wait3A_52] : memref<819200x128xf32, #tpu.memory_space<hbm>> -> memref<128x64xf32, #tpu.memory_space<hbm>>
    %dma_wait3A_54 = arith.constant 0 : i32
    %dma_wait3A_55 = arith.constant 0 : i32
    %dma_wait3A_56 = tpu.memref_slice %arg6[%dma_wait3A_45, %dma_wait3A_54, %dma_wait3A_55] : memref<4x128x64xf32, #tpu.memory_space<vmem>> -> memref<1x128x64xf32, #tpu.memory_space<vmem>>
    %dma_wait3A_57 = tpu.memref_squeeze %dma_wait3A_56 : memref<1x128x64xf32, #tpu.memory_space<vmem>> -> memref<128x64xf32, #tpu.memory_space<vmem>>
    tpu.wait_dma2 semaphore(%arg14 : memref<!tpu.dma_semaphore, #tpu.memory_space<semaphore_mem>>) src(%dma_wait3A_57 : memref<128x64xf32, #tpu.memory_space<vmem>>) dst(%dma_wait3A_53 : memref<128x64xf32, #tpu.memory_space<hbm>>)
    return
  }
}

</mosaic_0001>

<sc_bundles>
// kernel: kernel.3.cloned.1.call-start
scs
__scs_entry_jumppad:
0x0: {  	(pc) =	sbr.rel $0x88, $3  }
0x1: {  	(tag) =	ssettag $0x0;
	lr =	simm.s32 $0x1  }
0x2: {  	[smem:$0x3F9F] =	sst lr;
	_ =	strace $0xD0000000  }
0x3: {  	_ = 	snop  }
0x4: {  	_ = 	snop  }
0x5: {  	_ = 	snop  }
0x6: {  	_ = 	snop  }
0x7: {  	_ = 	snop  }
__scs_overlays_trampoline_lowered:
0x8: {  	[smem:$0x3FAE] =	sst s0  }
0x9: {  	[smem:$0x3FAF] =	sst s1  }
0xa: {  	[smem:$0x3FB0] =	sst s2  }
0xb: {  	[smem:$0x3FB1] =	sst s3  }
0xc: {  	[smem:$0x3FB2] =	sst s4  }
0xd: {  	[smem:$0x3FB3] =	sst s5  }
0xe: {  	[smem:$0x3FB4] =	sst s6  }
0xf: {  	[smem:$0x3FB5] =	sst s7  }
0x10: {  	[smem:$0x3FB6] =	sst s8  }
0x11: {  	[smem:$0x3FB7] =	sst s9;
	s0 =	simm.s32 @!p0 $0x0  }
0x12: {  	s1 =	sld [smem:$0x3F9D];
	s0 =	simm.s32 @p0 $0x1  }
0x13: {  	[smem:$0x3FB8] =	sst s0;
	s0 =	simm.s32 @!p1 $0x0  }
0x14: {  	s2 =	sld [smem:$0x3F9C];
	s0 =	simm.s32 @p1 $0x1  }
0x15: {  	[smem:$0x3FB9] =	sst s0;
	s0 =	simm.s32 @!p2 $0x0  }
0x16: {  	s3 =	sld [smem:$0x3FDB];
	s0 =	simm.s32 @p2 $0x1  }
0x17: {  	s4 =	simm.s32 $0x1BF5;
	[smem:$0x3FBB] =	sst s0  }
0x18: {  	s0 =	sld [smem:$0x3F9E];
	_ =	swait.ge [sflag:s4], $0x0  }
0x19: {  	s7 =	sld [smem:$0x3F9F]  }
0x1a: {  	s8 =	sadd.s32 $0xFFFFE003, lr  }
0x1b: {  	s9 =	sadd.s32 $0xFFFFFEF7, lr;
	s5 =	simm.s32 $0xFFFFFFFF;
	p2 =	slt.u32 s8, $0xFFFFF086  }
0x1c: {  	p1 =	slt.u32 s9, $0xF7A;
	s5 =	simm.s32 @!p2 $0x0  }
0x1d: {  	s5 =	simm.s32 @p1 $0x1;
	p0 =	seq.s32 s7, s2  }
0x1e: {  	s7 =	smul.u32 @!p0 $0xF7A, s2;
	p2 =	seq.s32 @!p0 s5, $0x0  }
0x1f: {  	s9 =	smul.u32 $0xF7A, s1;
	s8 =	simm.s32 @!p0 $0x1BF5;
	p2 =	por !p2, p0  }
0x20: {  	[sflag:s8] =	ssyncset.s32 @!p0 $0xFFFFF086;
	s6 =	sadd.s32 @!p0 s3, s7;
	s7 =	simm.s32 @!p0 $0x108  }
0x21: {  	s3 =	sadd.s32 s3, s9;
	s6 =	sadd.s32 @!p0 $0x88, s6;
	s7 =	simm.s32 @p2 $0x1082  }
0x22: {  	[simem:s7], [sflag:s8] =	dma.local @!p0 [hbm:s6], $0xF7A  }
0x23: {  	s9 =	sor.u32 $0xD0000000, s2;
	s6 =	simm.s32 $0x108;
	_ =	swait.ge @!p0 [sflag:s8], $0x0  }
0x24: {  	s3 =	sadd.s32 $0x88, s3;
	s6 =	simm.s32 @!p1 $0x1082;
	[sflag:s4] =	ssyncset.s32 $0xFFFFF086  }
0x25: {  	[simem:s6], [sflag:s4] =	dma.local [hbm:s3], $0xF7A  }
0x26: {  	[smem:$0x3F9F] =	sst s1;
	(tag) =	ssettag s2;
	_ =	strace s9  }
0x27: {  	s1 =	sld [smem:$0x3FAF]  }
0x28: {  	s2 =	sld [smem:$0x3FB0]  }
0x29: {  	s4 =	sld [smem:$0x3FB2]  }
0x2a: {  	p0 =	seq.s32 s5, $0x0;
	s5 =	sld [smem:$0x3FB3]  }
0x2b: {  	s6 =	sld [smem:$0x3FB4]  }
0x2c: {  	s7 =	sld [smem:$0x3FB5]  }
0x2d: {  	s3 =	simm.s32 $0x108;
	s8 =	sld [smem:$0x3FB6]  }
0x2e: {  	s3 =	simm.s32 @!p0 $0x1082;
	s9 =	sld [smem:$0x3FB7]  }
0x2f: {  	lr =	sadd.s32 s0, s3;
	s0 =	sld [smem:$0x3FAE]  }
0x30: {  	s3 =	sld [smem:$0x3FB1]  }
0x31: {  	[smem:$0x3FBA] =	sst s10  }
0x32: {  	s10 =	sld [smem:$0x3FB8];
	_ =	sdelay $0x3  }
0x33: {  	p0 =	seq.s32 s10, $0x1;
	s10 =	sld [smem:$0x3FBA];
	_ =	sdelay $0x3  }
0x34: {  	[smem:$0x3FBA] =	sst s10  }
0x35: {  	s10 =	sld [smem:$0x3FB9];
	_ =	sdelay $0x3  }
0x36: {  	p1 =	seq.s32 s10, $0x1;
	s10 =	sld [smem:$0x3FBA];
	_ =	sdelay $0x3  }
0x37: {  	[smem:$0x3FBA] =	sst s10  }
0x38: {  	s10 =	sld [smem:$0x3FBB]  }
0x39: {  	_ = 	snop;
	(pc) =	sbr.ind lr, $3  }
0x3a: {  	_ = 	snop  }
0x3b: {  	_ = 	snop  }
0x3c: {  	p2 =	seq.s32 s10, $0x1;
	s10 =	sld [smem:$0x3FBA]  }
0x3d: {  	_ =	shalt  }
0x3e: {  	_ =	shalt  }
0x3f: {  	_ =	shalt  }
0x40: {  	_ =	shalt  }
0x41: {  	_ =	shalt  }
0x42: {  	_ =	shalt  }
0x43: {  	_ =	shalt  }
0x44: {  	_ =	shalt  }
0x45: {  	_ =	shalt  }
0x46: {  	_ =	shalt  }
0x47: {  	_ =	shalt  }
0x48: {  	_ =	shalt  }
0x49: {  	_ =	shalt  }
0x4a: {  	_ =	shalt  }
0x4b: {  	_ =	shalt  }
0x4c: {  	_ =	shalt  }
0x4d: {  	_ =	shalt  }
0x4e: {  	_ =	shalt  }
0x4f: {  	_ =	shalt  }
0x50: {  	_ =	shalt  }
0x51: {  	_ =	shalt  }
0x52: {  	_ =	shalt  }
0x53: {  	_ =	shalt  }
0x54: {  	_ =	shalt  }
0x55: {  	_ =	shalt  }
0x56: {  	_ =	shalt  }
0x57: {  	_ =	shalt  }
0x58: {  	_ =	shalt  }
0x59: {  	_ =	shalt  }
0x5a: {  	_ =	shalt  }
0x5b: {  	_ =	shalt  }
0x5c: {  	_ =	shalt  }
0x5d: {  	_ =	shalt  }
0x5e: {  	_ =	shalt  }
0x5f: {  	_ =	shalt  }
0x60: {  	_ =	shalt  }
0x61: {  	_ =	shalt  }
0x62: {  	_ =	shalt  }
0x63: {  	_ =	shalt  }
0x64: {  	_ =	shalt  }
0x65: {  	_ =	shalt  }
0x66: {  	_ =	shalt  }
0x67: {  	_ =	shalt  }
0x68: {  	_ =	shalt  }
0x69: {  	_ =	shalt  }
0x6a: {  	_ =	shalt  }
0x6b: {  	_ =	shalt  }
0x6c: {  	_ =	shalt  }
0x6d: {  	_ =	shalt  }
0x6e: {  	_ =	shalt  }
0x6f: {  	_ =	shalt  }
0x70: {  	_ =	shalt  }
0x71: {  	_ =	shalt  }
0x72: {  	_ =	shalt  }
0x73: {  	_ =	shalt  }
0x74: {  	_ =	shalt  }
0x75: {  	_ =	shalt  }
0x76: {  	_ =	shalt  }
0x77: {  	_ =	shalt  }
0x78: {  	_ =	shalt  }
0x79: {  	_ =	shalt  }
0x7a: {  	_ =	shalt  }
0x7b: {  	_ =	shalt  }
0x7c: {  	_ =	shalt  }
0x7d: {  	_ =	shalt  }
0x7e: {  	_ =	shalt  }
0x7f: {  	_ =	shalt  }
0x80: {  	_ =	shalt  }
0x81: {  	_ =	shalt  }
0x82: {  	_ =	shalt  }
0x83: {  	_ =	shalt  }
0x84: {  	_ =	shalt  }
0x85: {  	_ =	shalt  }
0x86: {  	_ =	shalt  }
0x87: {  	_ =	shalt  }
.Lfunc_end0:
.L_simem_size_0:
called_computation.1_lowered:
.L_overlay_start_0:
0x88: {  	s2 =	sld [smem:$0x3FD9]  }
0x89: {  	s3 =	sld [smem:$0x3FFE];
	_ =	sdelay $0x1  }
0x8a: {  	s1 =	srdreg.scid  }
0x8b: {  	s0 =	sand.u32 $0x1, s1  }
0x8c: {  	s17 =	sshll.u32 s0, $0xA;
	s2 =	sadd.s32 s3, s2  }
0x8d: {  	s2 =	sadd.s32 s2, s17  }
0x8e: {  	[smem:$0x3FC6] =	sst s2  }
0x8f: {  	_ = 	snop  }
0x90: {  	s2 =	sld [smem:$0x3FD0];
	(tm) =	ssettm $0x1  }
0x91: {  	s18 =	sld [smem:$0x3FFB];
	_ =	sdelay $0x3  }
0x92: {  	_ =	strace s18  }
0x93: {  	s3 =	sld [smem:$0x3FFC];
	_ =	sdelay $0x3  }
0x94: {  	_ =	strace s3  }
0x95: {  	s3 =	sld [smem:$0x3FFD];
	_ =	sdelay $0x3  }
0x96: {  	_ =	strace s3  }
0x97: {  	_ =	strace $0x8FFFFFFF  }
0x98: {  	s19 =	sld [smem:$0x3FDB];
	_ =	sdelay $0x1  }
0x99: {  	s4 =	simm.s32 $_scs_section_size  }
0x9a: {  	s5 =	simm.s32 $_size__tile_overlayer_lowered;
	s6 =	simm.s32 $_tile_overlayer_lowered  }
0x9b: {  	s22 =	simm.s32 $0x1BFF;
	s21 =	sshll.u32 s6, $0x1;
	s3 =	sadd.s32 s4, s19  }
0x9c: {  	s7 =	simm.s32 $0x0;
	s20 =	sshll.u32 s5, $0x1;
	s5 =	sadd.s32 s21, s3  }
0x9d: {  	[timem:s7], [sflag:s22] =	dma.local [hbm:s5], s20  }
0x9e: {  	_ =	swait.ge [sflag:s22], s20  }
0x9f: {  	s4 =	ssub.s32 $0x0, s20;
	[sflag:s22] =	ssyncset.done $0x0  }
0xa0: {  	[sflag:s22] =	ssyncadd.s32 s4;
	_ =	sdelay $0x1  }
0xa1: {  	s23 =	simm.s32 $0x1B8B  }
0xa2: {  	_ =	swait.ge [sflag:s23], $0x1  }
0xa3: {  	[sflag:s23] =	ssyncset.done $0x0  }
0xa4: {  	s25 =	simm.s32 $0x1B8E;
	s24 =	sld [smem:$0x3FFE];
	[sflag:s23] =	ssyncadd.s32 $0xFFFFFFFF  }
0xa5: {  	s26 =	simm.s32 $execute0_lowered;
	[smem:$0x3FD2] =	sst s25  }
0xa6: {  	s5 =	sshll.u32 s26, $0x1;
	_ =	strace $0x80000046;
	[dreg:$0x1] =	wrdreg $0xFFFFFFFF  }
0xa7: {  	s28 =	simm.s32 $_size_execute0_lowered;
	s3 =	sadd.s32 s3, s5;
	[dreg:$0x0] =	wrdreg $0x0  }
0xa8: {  	s5 =	sshll.u32 s28, $0x1;
	[dreg:$0x2] =	wrdreg s3  }
0xa9: {  	[dreg:$0x3] =	wrdreg s5  }
0xaa: {  	[dreg:$0x4] =	wrdreg $0xC0  }
0xab: {  	_ =	task [dreg:s7], $0x5FFFF  }
0xac: {  	[dreg:$0x1] =	wrdreg $0xFFFFFFFF  }
0xad: {  	[dreg:$0x0] =	wrdreg $0x60  }
0xae: {  	[dreg:$0x2] =	wrdreg s2  }
0xaf: {  	[dreg:$0x3] =	wrdreg s24  }
0xb0: {  	[dreg:$0x4] =	wrdreg $0x9  }
0xb1: {  	_ =	task.clear_ibuf [dreg:s7], $0x5FFFF;
	_ =	strace $0x90000046  }
0xb2: {  	s29 =	simm.s32 $0x9;
	_ =	strace $0x80000048  }
0xb3: {  	_ =	swait.ge [sflag:s29], $0x1  }
0xb4: {  	[sflag:s29] =	ssyncadd.s32 $0xFFFFFFFF  }
0xb5: {  	_ =	strace $0x90000048  }
0xb6: {  	_ =	sfence  }
0xb7: {  	s30 =	sld [smem:$0x0];
	_ =	sdelay $0x2  }
0xb8: {  	s31 =	sshll.u32 s1, $0xD;
	s1 =	sshrl.u32 s1, $0x2  }
0xb9: {  	s3 =	sand.u32 $0x4000, s31;
	s1 =	sadd.s32 s1, s30  }
0xba: {  	s0 =	sor.u32 s3, s0;
	s1 =	sshll.u32 s1, $0x11  }
0xbb: {  	s0 =	sor.u32 s1, s0  }
0xbc: {  	s0 =	sadd.s32 $0x8F2B, s0  }
0xbd: {  	[sflag:s0] =	ssyncadd.remote.s32 $0x1  }
0xbe: {  	_ =	sfence.sel $0xFFFF  }
0xbf: {  	[dreg:$0x0] =	wrdreg $0xFFFFFFFF;
	(pc) =	sbr.abs _section_cstart, $3  }
0xc0: {  	[dreg:$0x1] =	wrdreg $0xFFFFFFFF  }
0xc1: {  	_ =	task.clear_ibuf [dreg:s7], $0x2FFFF;
	_ =	strace $0x9FFFFFFF  }
0xc2: {  	(tm) =	ssettm $0x7FFFFFFF  }
0xc3: {  	_ =	shalt  }
tec
execute0_lowered:
.L_overlay_start_1:
0x0: {  	(tag) =	ssettag $0x1  }
0x1: {  	s5 =	rddreg [dreg:$0x0];
	s1 =	srdreg.scid  }
0x2: {  	s0 =	stileid.u32;
	s4 =	rddreg [dreg:$0x1]  }
0x3: {  	s2 =	simm.s32 $0x0;
	s11 =	simm.s32 $0x6400;
	s12 =	simm.s32 $0x8400  }
0x4: {  	s13 =	simm.s32 $0x1;
	s14 =	simm.s32 $0x40;
	s15 =	simm.s32 $0xA400  }
0x5: {  	s16 =	simm.s32 $0x2;
	s17 =	simm.s32 $0xC400;
	s18 =	simm.s32 $0x3  }
0x6: {  	s19 =	simm.s32 $0x5;
	s20 =	simm.s32 $0x4;
	s21 =	simm.s32 $0x6  }
0x7: {  	s22 =	simm.s32 $0x7;
	s3 =	sand.u32 $0x1, s1;
	s6 =	sshll.u32 s0, $0x1  }
0x8: {  	s23 =	simm.s32 $0x8;
	s1 =	rddreg [dreg:$0x2];
	s6 =	sor.u32 s3, s6  }
0x9: {  	s24 =	simm.s32 $0x0;
	[smem:$0x7FF] =	sst s2;
	s8 =	smul.u32 $0xC80, s6  }
.Ltmp0:
0xa: {  	s7 =	ssub.s32 $0x2, s3;
	_ =	strace $0x80000047;
	(pc) =	sbr.rel .LBB2_1-.Ltmp0, $4  }
0xb: {  	s3 =	sadd.s32 $0xF42E00, s4;
	s9 =	sshrl.u32 s7, $0x1;
	s10 =	smul.u32 $0x64000, s6  }
0xc: {  	s4 =	sadd.s32 $0xA00, s4;
	s6 =	smul.u32 $0x320000, s6;
	s7 =	ssub.s32 s7, s9  }
0xd: {  	s9 =	simm.s32 $0x9;
	s5 =	sadd.s32 s5, s8;
	s31 =	sadd.s32 s10, s4  }
0xe: {  	s7 =	smax.u32 s7, $0x1;
	s10 =	simm.s32 $0x80;
	s8 =	sadd.s32 $0x800, s31  }
.LBB2_12:
0xf: {  	s24 =	sadd.s32 $0x1, s24  }
0x10: {  	_ =	swait.ge [sflag:s22], $0x2000;
	p0 =	sne.s32 s24, s7  }
.Ltmp1:
0x11: {  	[sflag:s22] =	ssyncset.done $0x0;
	(pc) =	sbr.rel @!p0 .LBB2_13-.Ltmp1, $4  }
0x12: {  	[sflag:s22] =	ssyncadd.s32 $0xFFFFE000  }
0x13: {  	_ =	swait.ge [sflag:s23], $0x2000  }
0x14: {  	[sflag:s23] =	ssyncset.done $0x0  }
0x15: {  	[sflag:s23] =	ssyncadd.s32 $0xFFFFE000  }
.LBB2_1:
0x16: {  	[tilespmem:s2], [sflag:$0x9] =	stream.linear.gather [hbm4b:s5+s2], $0x6400, $0x38;
	[tilespmem:$0xE400] =	vst v63  }
0x17: {  	_ =	swait.ge [sflag:s9], $0x6400  }
0x18: {  	[sflag:s9] =	ssyncset.done $0x0  }
0x19: {  	[sflag:s9] =	ssyncadd.s32 $0xFFFF9C00  }
0x1a: {  	[tilespmem:s11], [sflag:$0x1] =	stream.indirect.gather [hbm4b:s3+s10], $0x40, s2, s10, $0xb8;
	[tilespmem:$0xE400] =	vst v63  }
0x1b: {  	s25 =	simm.s32 $0x0  }
0x1c: {  	[tilespmem:s12], [sflag:$0x2] =	stream.indirect.gather [hbm4b:s3+s10], $0x40, s10, s10, $0xb8;
	[tilespmem:$0xE400] =	vst v63  }
.LBB2_2:
0x1d: {  	_ =	swait.ge [sflag:s13], $0x2000  }
0x1e: {  	[sflag:s13] =	ssyncset.done $0x0  }
0x1f: {  	s26 =	simm.s32 $0x6480;
	[sflag:s13] =	ssyncadd.s32 $0xFFFFE000  }
0x20: {  	v0 =	vld [tilespmem:s26+$0xFFFFFF80]  }
0x21: {  	v1 =	vld [tilespmem:s26+$0xFFFFFF90]  }
0x22: {  	v2 =	vld [tilespmem:s26+$0xFFFFFFA0]  }
0x23: {  	v3 =	vld [tilespmem:s26+$0xFFFFFFB0]  }
0x24: {  	v4 =	vld [tilespmem:s26+$0xFFFFFFC0]  }
0x25: {  	v5 =	vld [tilespmem:s26+$0xFFFFFFD0];
	v0 =	vmul.f32 $8.000000000e+00, v0  }
0x26: {  	v6 =	vld [tilespmem:s26+$0xFFFFFFE0];
	v1 =	vmul.f32 $8.000000000e+00, v1  }
0x27: {  	[tilespmem:s26+$0xFFFFFF80] =	vst v0;
	v0 =	vmul.f32 $8.000000000e+00, v2;
	v2 =	vld [tilespmem:s26+$0x0]  }
0x28: {  	[tilespmem:s26+$0xFFFFFF90] =	vst v1;
	v1 =	vmul.f32 $8.000000000e+00, v3;
	v3 =	vld [tilespmem:s26+$0x10]  }
0x29: {  	[tilespmem:s26+$0xFFFFFFA0] =	vst v0;
	v0 =	vmul.f32 $8.000000000e+00, v4;
	v4 =	vld [tilespmem:s26+$0x20]  }
0x2a: {  	v7 =	vld [tilespmem:s26+$0x30];
	[tilespmem:s26+$0xFFFFFFB0] =	vst v1;
	v1 =	vmul.f32 $8.000000000e+00, v5  }
0x2b: {  	v5 =	vmul.f32 $8.000000000e+00, v6;
	[tilespmem:s26+$0xFFFFFFC0] =	vst v0;
	v0 =	vld [tilespmem:s26+$0x40]  }
0x2c: {  	[tilespmem:s26+$0xFFFFFFD0] =	vst v1;
	v1 =	vmul.f32 $8.000000000e+00, v2;
	v2 =	vld [tilespmem:s26+$0x50]  }
0x2d: {  	[tilespmem:s26+$0xFFFFFFE0] =	vst v5;
	v6 =	vmul.f32 $8.000000000e+00, v3;
	v3 =	vld [tilespmem:s26+$0x60]  }
0x2e: {  	[tilespmem:s26+$0x0] =	vst v1;
	v5 =	vmul.f32 $8.000000000e+00, v4;
	v4 =	vld [tilespmem:s26+$0x70]  }
0x2f: {  	s28 =	simm.s32 $0x0;
	s29 =	simm.s32 $0x6580;
	v1 =	vld [tilespmem:s26+$0xFFFFFFF0];
	[tilespmem:s26+$0x10] =	vst v6;
	v6 =	vmul.f32 $8.000000000e+00, v7  }
.LBB2_3:
0x30: {  	v7 =	vld [tilespmem:s29+$0xFFFFFF80];
	[tilespmem:s26+$0x20] =	vst v5;
	v0 =	vmul.f32 $8.000000000e+00, v0  }
0x31: {  	v5 =	vld [tilespmem:s29+$0xFFFFFF90];
	[tilespmem:s26+$0x30] =	vst v6;
	v2 =	vmul.f32 $8.000000000e+00, v2  }
0x32: {  	v6 =	vld [tilespmem:s29+$0xFFFFFFA0];
	[tilespmem:s26+$0x40] =	vst v0;
	v0 =	vmul.f32 $8.000000000e+00, v3  }
0x33: {  	v3 =	vld [tilespmem:s29+$0xFFFFFFB0];
	[tilespmem:s26+$0x50] =	vst v2;
	v2 =	vmul.f32 $8.000000000e+00, v4  }
0x34: {  	v4 =	vld [tilespmem:s29+$0xFFFFFFC0];
	v1 =	vmul.f32 $8.000000000e+00, v1;
	[tilespmem:s26+$0x60] =	vst v0  }
0x35: {  	v0 =	vmul.f32 $8.000000000e+00, v7;
	v7 =	vld [tilespmem:s29+$0xFFFFFFD0];
	[tilespmem:s26+$0x70] =	vst v2  }
0x36: {  	v2 =	vmul.f32 $8.000000000e+00, v5;
	v5 =	vld [tilespmem:s29+$0xFFFFFFE0];
	[tilespmem:s26+$0xFFFFFFF0] =	vst v1;
	s26 =	smov.u32 s29  }
0x37: {  	[tilespmem:s29+$0xFFFFFF80] =	vst v0;
	v0 =	vmul.f32 $8.000000000e+00, v6;
	v1 =	vld [tilespmem:s29+$0x0]  }
0x38: {  	[tilespmem:s29+$0xFFFFFF90] =	vst v2;
	v2 =	vmul.f32 $8.000000000e+00, v3;
	v3 =	vld [tilespmem:s29+$0x10]  }
0x39: {  	s28 =	sadd.s32 $0x4, s28;
	[tilespmem:s29+$0xFFFFFFA0] =	vst v0;
	v0 =	vmul.f32 $8.000000000e+00, v4;
	v4 =	vld [tilespmem:s29+$0x20]  }
0x3a: {  	p0 =	slt.u32 s28, $0x7C;
	[tilespmem:s29+$0xFFFFFFB0] =	vst v2;
	v2 =	vmul.f32 $8.000000000e+00, v7;
	v6 =	vld [tilespmem:s29+$0x30]  }
.Ltmp2:
0x3b: {  	[tilespmem:s29+$0xFFFFFFC0] =	vst v0;
	v5 =	vmul.f32 $8.000000000e+00, v5;
	v0 =	vld [tilespmem:s29+$0x40];
	(pc) =	sbr.rel @p0 .LBB2_3-.Ltmp2, $4  }
0x3c: {  	[tilespmem:s29+$0xFFFFFFD0] =	vst v2;
	v1 =	vmul.f32 $8.000000000e+00, v1;
	v2 =	vld [tilespmem:s29+$0x50]  }
0x3d: {  	[tilespmem:s29+$0xFFFFFFE0] =	vst v5;
	v7 =	vmul.f32 $8.000000000e+00, v3;
	v3 =	vld [tilespmem:s29+$0x60]  }
0x3e: {  	[tilespmem:s29+$0x0] =	vst v1;
	v5 =	vmul.f32 $8.000000000e+00, v4;
	v4 =	vld [tilespmem:s29+$0x70]  }
0x3f: {  	s29 =	sadd.s32 $0x100, s29;
	v1 =	vld [tilespmem:s26+$0xFFFFFFF0];
	[tilespmem:s26+$0x10] =	vst v7;
	v6 =	vmul.f32 $8.000000000e+00, v6  }
0x40: {  	[tilespmem:s26+$0x20] =	vst v5;
	v0 =	vmul.f32 $8.000000000e+00, v0  }
0x41: {  	[tilespmem:s26+$0x30] =	vst v6;
	v2 =	vmul.f32 $8.000000000e+00, v2  }
0x42: {  	[tilespmem:s26+$0x40] =	vst v0;
	v0 =	vmul.f32 $8.000000000e+00, v3  }
0x43: {  	s28 =	sshll.u32 s25, $0x10;
	[tilespmem:s26+$0x50] =	vst v2;
	v2 =	vmul.f32 $8.000000000e+00, v4  }
0x44: {  	s28 =	sadd.s32 s6, s28;
	v1 =	vmul.f32 $8.000000000e+00, v1;
	[tilespmem:s26+$0x60] =	vst v0  }
0x45: {  	s28 =	sshrl.u32 s28, $0x3;
	[tilespmem:s26+$0x70] =	vst v2  }
0x46: {  	p0 =	seq.s32 s25, $0x0;
	[tilespmem:s26+$0xFFFFFFF0] =	vst v1;
	s26 =	sadd.s32 s4, s28  }
0x47: {  	[hbm4b:s26+s14] =	stream.strided.scatter [tilespmem:s11], [sflag:$0x5], $0x2000, s10, s14, $0x38;
	[tilespmem:$0xE400] =	vst v63  }
0x48: {  	s29 =	simm.s32 @!p0 $0x7;
	s26 =	sshll.u32 s25, $0x2  }
0x49: {  	_ =	swait.ge @!p0 [sflag:s29], $0x2000;
	s28 =	sor.u32 $0x2, s26  }
0x4a: {  	[sflag:s29] =	ssyncset.done @!p0 $0x0;
	s30 =	sshll.u32 s28, $0x7  }
0x4b: {  	[sflag:s29] =	ssyncadd.s32 @!p0 $0xFFFFE000;
	s29 =	sand.u32 $0x3FFFFF80, s30  }
0x4c: {  	[tilespmem:s15], [sflag:$0x3] =	stream.indirect.gather [hbm4b:s3+s10], $0x40, s29, s10, $0xb8;
	[tilespmem:$0xE400] =	vst v63  }
0x4d: {  	_ =	swait.ge [sflag:s16], $0x2000  }
0x4e: {  	[sflag:s16] =	ssyncset.done $0x0  }
0x4f: {  	s29 =	simm.s32 $0x84F0;
	[sflag:s16] =	ssyncadd.s32 $0xFFFFE000  }
0x50: {  	v0 =	vld [tilespmem:s29+$0xFFFFFF10]  }
0x51: {  	v1 =	vld [tilespmem:s29+$0xFFFFFF20]  }
0x52: {  	v2 =	vld [tilespmem:s29+$0xFFFFFF30]  }
0x53: {  	v3 =	vld [tilespmem:s29+$0xFFFFFF40]  }
0x54: {  	v4 =	vld [tilespmem:s29+$0xFFFFFF50]  }
0x55: {  	v5 =	vld [tilespmem:s29+$0xFFFFFF60];
	v0 =	vmul.f32 $8.000000000e+00, v0  }
0x56: {  	v6 =	vld [tilespmem:s29+$0xFFFFFF70];
	v1 =	vmul.f32 $8.000000000e+00, v1  }
0x57: {  	[tilespmem:s29+$0xFFFFFF10] =	vst v0;
	v0 =	vmul.f32 $8.000000000e+00, v2;
	v2 =	vld [tilespmem:s29+$0xFFFFFF80]  }
0x58: {  	[tilespmem:s29+$0xFFFFFF20] =	vst v1;
	v1 =	vmul.f32 $8.000000000e+00, v3;
	v3 =	vld [tilespmem:s29+$0xFFFFFF90]  }
0x59: {  	[tilespmem:s29+$0xFFFFFF30] =	vst v0;
	v0 =	vmul.f32 $8.000000000e+00, v4;
	v4 =	vld [tilespmem:s29+$0xFFFFFFA0]  }
0x5a: {  	v7 =	vld [tilespmem:s29+$0xFFFFFFB0];
	[tilespmem:s29+$0xFFFFFF40] =	vst v1;
	v1 =	vmul.f32 $8.000000000e+00, v5  }
0x5b: {  	v5 =	vmul.f32 $8.000000000e+00, v6;
	[tilespmem:s29+$0xFFFFFF50] =	vst v0;
	v0 =	vld [tilespmem:s29+$0xFFFFFFC0]  }
0x5c: {  	[tilespmem:s29+$0xFFFFFF60] =	vst v1;
	v1 =	vld [tilespmem:s29+$0xFFFFFFD0];
	v6 =	vmul.f32 $8.000000000e+00, v2  }
0x5d: {  	[tilespmem:s29+$0xFFFFFF70] =	vst v5;
	v8 =	vmul.f32 $8.000000000e+00, v3;
	v2 =	vld [tilespmem:s29+$0xFFFFFFE0]  }
0x5e: {  	v3 =	vld [tilespmem:s29+$0x0];
	[tilespmem:s29+$0xFFFFFF80] =	vst v6;
	v5 =	vmul.f32 $8.000000000e+00, v4  }
0x5f: {  	s31 =	simm.s32 $0x85F0;
	s30 =	simm.s32 $0x0;
	[tilespmem:s29+$0xFFFFFF90] =	vst v8;
	v6 =	vmul.f32 $8.000000000e+00, v7;
	v4 =	vld [tilespmem:s29+$0xFFFFFFF0]  }
.LBB2_5:
0x60: {  	v7 =	vld [tilespmem:s31+$0xFFFFFF10];
	[tilespmem:s29+$0xFFFFFFA0] =	vst v5;
	v0 =	vmul.f32 $8.000000000e+00, v0  }
0x61: {  	v5 =	vld [tilespmem:s31+$0xFFFFFF20];
	[tilespmem:s29+$0xFFFFFFB0] =	vst v6;
	v1 =	vmul.f32 $8.000000000e+00, v1  }
0x62: {  	v6 =	vld [tilespmem:s31+$0xFFFFFF30];
	[tilespmem:s29+$0xFFFFFFC0] =	vst v0;
	v0 =	vmul.f32 $8.000000000e+00, v2  }
0x63: {  	v2 =	vld [tilespmem:s31+$0xFFFFFF40];
	[tilespmem:s29+$0xFFFFFFD0] =	vst v1;
	v1 =	vmul.f32 $8.000000000e+00, v3  }
0x64: {  	v3 =	vld [tilespmem:s31+$0xFFFFFF50];
	[tilespmem:s29+$0xFFFFFFE0] =	vst v0;
	v0 =	vmul.f32 $8.000000000e+00, v4  }
0x65: {  	v4 =	vmul.f32 $8.000000000e+00, v7;
	v7 =	vld [tilespmem:s31+$0xFFFFFF60];
	[tilespmem:s29+$0x0] =	vst v1  }
0x66: {  	v1 =	vmul.f32 $8.000000000e+00, v5;
	v5 =	vld [tilespmem:s31+$0xFFFFFF70];
	[tilespmem:s29+$0xFFFFFFF0] =	vst v0;
	s29 =	smov.u32 s31  }
0x67: {  	[tilespmem:s31+$0xFFFFFF10] =	vst v4;
	v0 =	vmul.f32 $8.000000000e+00, v6;
	v4 =	vld [tilespmem:s31+$0xFFFFFF80]  }
0x68: {  	[tilespmem:s31+$0xFFFFFF20] =	vst v1;
	v1 =	vmul.f32 $8.000000000e+00, v2;
	v2 =	vld [tilespmem:s31+$0xFFFFFF90]  }
0x69: {  	s30 =	sadd.s32 $0x4, s30;
	[tilespmem:s31+$0xFFFFFF30] =	vst v0;
	v0 =	vmul.f32 $8.000000000e+00, v3;
	v3 =	vld [tilespmem:s31+$0xFFFFFFA0]  }
0x6a: {  	p1 =	slt.u32 s30, $0x7C;
	[tilespmem:s31+$0xFFFFFF40] =	vst v1;
	v1 =	vmul.f32 $8.000000000e+00, v7;
	v6 =	vld [tilespmem:s31+$0xFFFFFFB0]  }
.Ltmp3:
0x6b: {  	[tilespmem:s31+$0xFFFFFF50] =	vst v0;
	v5 =	vmul.f32 $8.000000000e+00, v5;
	v0 =	vld [tilespmem:s31+$0xFFFFFFC0];
	(pc) =	sbr.rel @p1 .LBB2_5-.Ltmp3, $4  }
0x6c: {  	[tilespmem:s31+$0xFFFFFF60] =	vst v1;
	v4 =	vmul.f32 $8.000000000e+00, v4;
	v1 =	vld [tilespmem:s31+$0xFFFFFFD0]  }
0x6d: {  	[tilespmem:s31+$0xFFFFFF70] =	vst v5;
	v7 =	vmul.f32 $8.000000000e+00, v2;
	v2 =	vld [tilespmem:s31+$0xFFFFFFE0]  }
0x6e: {  	[tilespmem:s31+$0xFFFFFF80] =	vst v4;
	v5 =	vmul.f32 $8.000000000e+00, v3;
	v3 =	vld [tilespmem:s31+$0x0]  }
0x6f: {  	s31 =	sadd.s32 $0x100, s31;
	[tilespmem:s29+$0xFFFFFF90] =	vst v7;
	v6 =	vmul.f32 $8.000000000e+00, v6;
	v4 =	vld [tilespmem:s29+$0xFFFFFFF0]  }
0x70: {  	[tilespmem:s29+$0xFFFFFFA0] =	vst v5;
	v0 =	vmul.f32 $8.000000000e+00, v0  }
0x71: {  	[tilespmem:s29+$0xFFFFFFB0] =	vst v6;
	v1 =	vmul.f32 $8.000000000e+00, v1  }
0x72: {  	[tilespmem:s29+$0xFFFFFFC0] =	vst v0;
	v0 =	vmul.f32 $8.000000000e+00, v2  }
0x73: {  	[tilespmem:s29+$0xFFFFFFD0] =	vst v1;
	v1 =	vmul.f32 $8.000000000e+00, v3  }
0x74: {  	[tilespmem:s29+$0xFFFFFFE0] =	vst v0;
	v0 =	vmul.f32 $8.000000000e+00, v4  }
0x75: {  	s30 =	sshll.u32 s25, $0xD;
	[tilespmem:s29+$0x0] =	vst v1  }
0x76: {  	[tilespmem:s29+$0xFFFFFFF0] =	vst v0;
	s29 =	sadd.s32 s8, s30  }
0x77: {  	[hbm4b:s29+s14] =	stream.strided.scatter [tilespmem:s12], [sflag:$0x6], $0x2000, s10, s14, $0x38;
	[tilespmem:$0xE400] =	vst v63  }
0x78: {  	s29 =	simm.s32 @!p0 $0x8  }
0x79: {  	s26 =	sor.u32 $0x3, s26;
	_ =	swait.ge @!p0 [sflag:s29], $0x2000  }
0x7a: {  	s30 =	sshll.u32 s26, $0x7;
	[sflag:s29] =	ssyncset.done @!p0 $0x0  }
0x7b: {  	[sflag:s29] =	ssyncadd.s32 @!p0 $0xFFFFE000;
	s29 =	sand.u32 $0x3FFFFF80, s30  }
0x7c: {  	[tilespmem:s17], [sflag:$0x4] =	stream.indirect.gather [hbm4b:s3+s10], $0x40, s29, s10, $0xb8;
	[tilespmem:$0xE400] =	vst v63  }
0x7d: {  	_ =	swait.ge [sflag:s18], $0x2000  }
0x7e: {  	[sflag:s18] =	ssyncset.done $0x0  }
0x7f: {  	s29 =	simm.s32 $0xA400;
	[sflag:s18] =	ssyncadd.s32 $0xFFFFE000  }
0x80: {  	v1 =	vld [tilespmem:s29+$0xA0]  }
0x81: {  	v2 =	vld [tilespmem:s29+$0x40]  }
0x82: {  	v3 =	vld [tilespmem:s29+$0xE0]  }
0x83: {  	v4 =	vld [tilespmem:s29+$0xD0]  }
0x84: {  	v5 =	vld [tilespmem:s29+$0x20]  }
0x85: {  	v0 =	vld [tilespmem:s29+$0x90]  }
0x86: {  	v8 =	vld [tilespmem:s29+$0xC0]  }
0x87: {  	v7 =	vld [tilespmem:s29+$0x10]  }
0x88: {  	v9 =	vld [tilespmem:s29+$0x0];
	v1 =	vmul.f32 $8.000000000e+00, v1  }
0x89: {  	v11 =	vld [tilespmem:s29+$0x50];
	v4 =	vmul.f32 $8.000000000e+00, v4  }
0x8a: {  	v10 =	vld [tilespmem:s29+$0xB0];
	v12 =	vmul.f32 $8.000000000e+00, v5;
	[tilespmem:s29+$0xA0] =	vst v1  }
0x8b: {  	v6 =	vld [tilespmem:s29+$0xF0];
	v13 =	vmul.f32 $8.000000000e+00, v8;
	[tilespmem:s29+$0xD0] =	vst v4  }
0x8c: {  	v1 =	vmul.f32 $8.000000000e+00, v2;
	v2 =	vmul.f32 $8.000000000e+00, v3;
	v3 =	vld [tilespmem:s29+$0x80];
	[tilespmem:s29+$0x20] =	vst v12  }
0x8d: {  	v4 =	vld [tilespmem:s29+$0x70];
	[tilespmem:s29+$0xC0] =	vst v13  }
0x8e: {  	v8 =	vmul.f32 $8.000000000e+00, v9;
	v5 =	vld [tilespmem:s29+$0x60];
	v9 =	vmul.f32 $8.000000000e+00, v11;
	[tilespmem:s29+$0x40] =	vst v1  }
0x8f: {  	s31 =	simm.s32 $0xA500;
	s30 =	simm.s32 $0x0;
	[tilespmem:s29+$0xE0] =	vst v2;
	v1 =	vmul.f32 $8.000000000e+00, v7;
	v7 =	vld [tilespmem:s29+$0x30];
	v2 =	vmul.f32 $8.000000000e+00, v10  }
.LBB2_7:
0x90: {  	v10 =	vld [tilespmem:s31+$0xA0];
	s30 =	sadd.s32 $0x4, s30;
	[tilespmem:s29+$0x0] =	vst v8;
	v0 =	vmul.f32 $8.000000000e+00, v0;
	v6 =	vmul.f32 $8.000000000e+00, v6  }
0x91: {  	v8 =	vld [tilespmem:s31+$0x40];
	p0 =	slt.u32 s30, $0x7C;
	[tilespmem:s29+$0x50] =	vst v9;
	v3 =	vmul.f32 $8.000000000e+00, v3  }
0x92: {  	v9 =	vld [tilespmem:s31+$0xE0];
	v4 =	vmul.f32 $8.000000000e+00, v4;
	[tilespmem:s29+$0xF0] =	vst v6  }
0x93: {  	v11 =	vld [tilespmem:s31+$0x20];
	v5 =	vmul.f32 $8.000000000e+00, v5;
	[tilespmem:s29+$0x80] =	vst v3  }
0x94: {  	v3 =	vld [tilespmem:s31+$0xD0];
	v6 =	vmul.f32 $8.000000000e+00, v7;
	[tilespmem:s29+$0x90] =	vst v0  }
0x95: {  	v0 =	vld [tilespmem:s31+$0x90];
	v7 =	vmul.f32 $8.000000000e+00, v10;
	[tilespmem:s29+$0x10] =	vst v1  }
0x96: {  	v1 =	vld [tilespmem:s31+$0x10];
	[tilespmem:s29+$0x30] =	vst v6  }
0x97: {  	v10 =	vld [tilespmem:s31+$0xC0];
	v9 =	vmul.f32 $8.000000000e+00, v9;
	[tilespmem:s29+$0xB0] =	vst v2  }
0x98: {  	v2 =	vld [tilespmem:s31+$0x0];
	[tilespmem:s29+$0x70] =	vst v4  }
0x99: {  	v12 =	vld [tilespmem:s31+$0xB0];
	v3 =	vmul.f32 $8.000000000e+00, v3;
	[tilespmem:s29+$0x60] =	vst v5;
	s29 =	smov.u32 s31  }
0x9a: {  	v13 =	vld [tilespmem:s31+$0x50];
	[tilespmem:s31+$0xA0] =	vst v7  }
.Ltmp4:
0x9b: {  	v4 =	vmul.f32 $8.000000000e+00, v8;
	[tilespmem:s31+$0xD0] =	vst v3;
	v6 =	vld [tilespmem:s31+$0xF0];
	(pc) =	sbr.rel @p0 .LBB2_7-.Ltmp4, $4  }
0x9c: {  	v3 =	vld [tilespmem:s31+$0x80];
	v7 =	vmul.f32 $8.000000000e+00, v10;
	[tilespmem:s31+$0xE0] =	vst v9  }
0x9d: {  	v9 =	vmul.f32 $8.000000000e+00, v11;
	[tilespmem:s31+$0x40] =	vst v4;
	v4 =	vld [tilespmem:s31+$0x70]  }
0x9e: {  	v1 =	vmul.f32 $8.000000000e+00, v1;
	v8 =	vmul.f32 $8.000000000e+00, v2;
	v5 =	vld [tilespmem:s31+$0x60];
	[tilespmem:s31+$0xC0] =	vst v7  }
0x9f: {  	v2 =	vmul.f32 $8.000000000e+00, v12;
	s31 =	sadd.s32 $0x100, s31;
	[tilespmem:s29+$0x20] =	vst v9;
	v7 =	vld [tilespmem:s29+$0x30];
	v9 =	vmul.f32 $8.000000000e+00, v13  }
0xa0: {  	[tilespmem:s29+$0x0] =	vst v8  }
0xa1: {  	[tilespmem:s29+$0x10] =	vst v1  }
0xa2: {  	v6 =	vmul.f32 $8.000000000e+00, v6;
	[tilespmem:s29+$0x50] =	vst v9  }
0xa3: {  	v0 =	vmul.f32 $8.000000000e+00, v0;
	[tilespmem:s29+$0xB0] =	vst v2  }
0xa4: {  	v3 =	vmul.f32 $8.000000000e+00, v3;
	[tilespmem:s29+$0xF0] =	vst v6  }
0xa5: {  	[tilespmem:s29+$0x90] =	vst v0;
	v0 =	vmul.f32 $8.000000000e+00, v4  }
0xa6: {  	s28 =	sshll.u32 s28, $0xE;
	[tilespmem:s29+$0x80] =	vst v3;
	v1 =	vmul.f32 $8.000000000e+00, v5  }
0xa7: {  	s28 =	sadd.s32 s6, s28;
	v3 =	vmul.f32 $8.000000000e+00, v7;
	[tilespmem:s29+$0x70] =	vst v0  }
0xa8: {  	s28 =	sshrl.u32 s28, $0x3;
	[tilespmem:s29+$0x60] =	vst v1  }
0xa9: {  	p0 =	seq.s32 s25, $0x31;
	s28 =	sadd.s32 s4, s28;
	[tilespmem:s29+$0x30] =	vst v3  }
0xaa: {  	[hbm4b:s28+s14] =	stream.strided.scatter [tilespmem:s15], [sflag:$0x7], $0x2000, s10, s14, $0x38;
	[tilespmem:$0xE400] =	vst v63  }
0xab: {  	s28 =	sshll.u32 @!p0 s25, $0x9;
	_ =	swait.ge [sflag:s19], $0x2000  }
0xac: {  	s30 =	simm.s32 @!p0 $0x6400;
	s28 =	sand.u32 @!p0 $0x3FFFFE00, s28;
	[sflag:s19] =	ssyncset.done $0x0  }
0xad: {  	s29 =	simm.s32 @!p0 $0x80;
	s28 =	sadd.s32 @!p0 $0x200, s28;
	[sflag:s19] =	ssyncadd.s32 $0xFFFFE000  }
0xae: {  	[tilespmem:s30], [sflag:$0x1] =	stream.indirect.gather @!p0 [hbm4b:s3+s29], $0x40, s28, s29, $0xb8;
	[tilespmem:$0xE400] =	vst v63  }
0xaf: {  	_ =	swait.ge [sflag:s20], $0x2000  }
0xb0: {  	[sflag:s20] =	ssyncset.done $0x0  }
0xb1: {  	s28 =	simm.s32 $0xC400;
	[sflag:s20] =	ssyncadd.s32 $0xFFFFE000  }
0xb2: {  	v1 =	vld [tilespmem:s28+$0xA0]  }
0xb3: {  	v2 =	vld [tilespmem:s28+$0x40]  }
0xb4: {  	v3 =	vld [tilespmem:s28+$0xE0]  }
0xb5: {  	v4 =	vld [tilespmem:s28+$0xD0]  }
0xb6: {  	v5 =	vld [tilespmem:s28+$0x20]  }
0xb7: {  	v0 =	vld [tilespmem:s28+$0x90]  }
0xb8: {  	v8 =	vld [tilespmem:s28+$0xC0]  }
0xb9: {  	v7 =	vld [tilespmem:s28+$0x10]  }
0xba: {  	v9 =	vld [tilespmem:s28+$0x0];
	v1 =	vmul.f32 $8.000000000e+00, v1  }
0xbb: {  	v11 =	vld [tilespmem:s28+$0x50];
	v4 =	vmul.f32 $8.000000000e+00, v4  }
0xbc: {  	v10 =	vld [tilespmem:s28+$0xB0];
	v12 =	vmul.f32 $8.000000000e+00, v5;
	[tilespmem:s28+$0xA0] =	vst v1  }
0xbd: {  	v6 =	vld [tilespmem:s28+$0xF0];
	v13 =	vmul.f32 $8.000000000e+00, v8;
	[tilespmem:s28+$0xD0] =	vst v4  }
0xbe: {  	v1 =	vmul.f32 $8.000000000e+00, v2;
	v2 =	vmul.f32 $8.000000000e+00, v3;
	v3 =	vld [tilespmem:s28+$0x80];
	[tilespmem:s28+$0x20] =	vst v12  }
0xbf: {  	v4 =	vld [tilespmem:s28+$0x70];
	[tilespmem:s28+$0xC0] =	vst v13  }
0xc0: {  	v8 =	vmul.f32 $8.000000000e+00, v9;
	v5 =	vld [tilespmem:s28+$0x60];
	v9 =	vmul.f32 $8.000000000e+00, v11;
	[tilespmem:s28+$0x40] =	vst v1  }
0xc1: {  	s29 =	simm.s32 $0x0;
	s30 =	simm.s32 $0xC500;
	[tilespmem:s28+$0xE0] =	vst v2;
	v1 =	vmul.f32 $8.000000000e+00, v7;
	v7 =	vld [tilespmem:s28+$0x30];
	v2 =	vmul.f32 $8.000000000e+00, v10  }
.LBB2_9:
0xc2: {  	v10 =	vld [tilespmem:s30+$0xA0];
	s29 =	sadd.s32 $0x4, s29;
	[tilespmem:s28+$0x0] =	vst v8;
	v0 =	vmul.f32 $8.000000000e+00, v0;
	v6 =	vmul.f32 $8.000000000e+00, v6  }
0xc3: {  	v8 =	vld [tilespmem:s30+$0x40];
	p1 =	slt.u32 s29, $0x7C;
	[tilespmem:s28+$0x50] =	vst v9;
	v3 =	vmul.f32 $8.000000000e+00, v3  }
0xc4: {  	v9 =	vld [tilespmem:s30+$0xE0];
	v4 =	vmul.f32 $8.000000000e+00, v4;
	[tilespmem:s28+$0xF0] =	vst v6  }
0xc5: {  	v11 =	vld [tilespmem:s30+$0x20];
	v5 =	vmul.f32 $8.000000000e+00, v5;
	[tilespmem:s28+$0x80] =	vst v3  }
0xc6: {  	v3 =	vld [tilespmem:s30+$0xD0];
	v6 =	vmul.f32 $8.000000000e+00, v7;
	[tilespmem:s28+$0x90] =	vst v0  }
0xc7: {  	v0 =	vld [tilespmem:s30+$0x90];
	v7 =	vmul.f32 $8.000000000e+00, v10;
	[tilespmem:s28+$0x10] =	vst v1  }
0xc8: {  	v1 =	vld [tilespmem:s30+$0x10];
	[tilespmem:s28+$0x30] =	vst v6  }
0xc9: {  	v10 =	vld [tilespmem:s30+$0xC0];
	v9 =	vmul.f32 $8.000000000e+00, v9;
	[tilespmem:s28+$0xB0] =	vst v2  }
0xca: {  	v2 =	vld [tilespmem:s30+$0x0];
	[tilespmem:s28+$0x70] =	vst v4  }
0xcb: {  	v12 =	vld [tilespmem:s30+$0xB0];
	v3 =	vmul.f32 $8.000000000e+00, v3;
	[tilespmem:s28+$0x60] =	vst v5;
	s28 =	smov.u32 s30  }
0xcc: {  	v13 =	vld [tilespmem:s30+$0x50];
	[tilespmem:s30+$0xA0] =	vst v7  }
.Ltmp5:
0xcd: {  	v4 =	vmul.f32 $8.000000000e+00, v8;
	[tilespmem:s30+$0xD0] =	vst v3;
	v6 =	vld [tilespmem:s30+$0xF0];
	(pc) =	sbr.rel @p1 .LBB2_9-.Ltmp5, $4  }
0xce: {  	v3 =	vld [tilespmem:s30+$0x80];
	v7 =	vmul.f32 $8.000000000e+00, v10;
	[tilespmem:s30+$0xE0] =	vst v9  }
0xcf: {  	v9 =	vmul.f32 $8.000000000e+00, v11;
	[tilespmem:s30+$0x40] =	vst v4;
	v4 =	vld [tilespmem:s30+$0x70]  }
0xd0: {  	v1 =	vmul.f32 $8.000000000e+00, v1;
	v8 =	vmul.f32 $8.000000000e+00, v2;
	v5 =	vld [tilespmem:s30+$0x60];
	[tilespmem:s30+$0xC0] =	vst v7  }
0xd1: {  	v2 =	vmul.f32 $8.000000000e+00, v12;
	s30 =	sadd.s32 $0x100, s30;
	[tilespmem:s28+$0x20] =	vst v9;
	v7 =	vld [tilespmem:s28+$0x30];
	v9 =	vmul.f32 $8.000000000e+00, v13  }
0xd2: {  	[tilespmem:s28+$0x0] =	vst v8  }
0xd3: {  	[tilespmem:s28+$0x10] =	vst v1  }
0xd4: {  	v6 =	vmul.f32 $8.000000000e+00, v6;
	[tilespmem:s28+$0x50] =	vst v9  }
0xd5: {  	v0 =	vmul.f32 $8.000000000e+00, v0;
	[tilespmem:s28+$0xB0] =	vst v2  }
0xd6: {  	v3 =	vmul.f32 $8.000000000e+00, v3;
	[tilespmem:s28+$0xF0] =	vst v6  }
0xd7: {  	[tilespmem:s28+$0x90] =	vst v0;
	v62 =	vmul.f32 $8.000000000e+00, v4  }
0xd8: {  	s26 =	sshll.u32 s26, $0xE;
	[tilespmem:s28+$0x80] =	vst v3;
	v63 =	vmul.f32 $8.000000000e+00, v5  }
0xd9: {  	s26 =	sadd.s32 s6, s26;
	v61 =	vmul.f32 $8.000000000e+00, v7;
	[tilespmem:s28+$0x70] =	vst v62  }
0xda: {  	s26 =	sshrl.u32 s26, $0x3;
	[tilespmem:s28+$0x60] =	vst v63  }
.Ltmp6:
0xdb: {  	s26 =	sadd.s32 s4, s26;
	[tilespmem:s28+$0x30] =	vst v61;
	(pc) =	sbr.rel @p0 .LBB2_12-.Ltmp6, $4  }
0xdc: {  	[hbm4b:s26+s14] =	stream.strided.scatter [tilespmem:s17], [sflag:$0x8], $0x2000, s10, s14, $0x38;
	[tilespmem:$0xE400] =	vst v63  }
0xdd: {  	_ =	swait.ge [sflag:s21], $0x2000  }
0xde: {  	[sflag:s21] =	ssyncset.done $0x0  }
0xdf: {  	[sflag:s21] =	ssyncadd.s32 $0xFFFFE000  }
.Ltmp7:
0xe0: {  	(pc) =	sbr.rel .LBB2_2-.Ltmp7, $4  }
0xe1: {  	s26 =	sshll.u32 s25, $0x9  }
0xe2: {  	s26 =	sand.u32 $0x3FFFFE00, s26  }
0xe3: {  	s25 =	sadd.s32 $0x1, s25;
	s26 =	sadd.s32 $0x280, s26  }
0xe4: {  	[tilespmem:s12], [sflag:$0x2] =	stream.indirect.gather [hbm4b:s3+s10], $0x40, s26, s10, $0xb8;
	[tilespmem:$0xE400] =	vst v63  }
.LBB2_13:
0xe5: {  	_ =	sfence.sel $0x180000  }
0xe6: {  	[bflag:$0x0] =	sbarrier.arrive $0xFFFF  }
0xe7: {  	p0 =	sne.s32 s0, $0x0;
	_ =	strace $0x90000047  }
0xe8: {  	s0 =	sadd.s32 @!p0 $0x100000, s1;
	[bflag:$0x2] =	sbarrier.arrive $0xFFFF  }
0xe9: {  	[sflag:s0] =	ssyncadd.tile.s32 @!p0 $0x1;
	_ =	shalt  }
.Lfunc_end2:
_tile_overlayer_lowered:
.L_overlay_start_2:
0xea: {  	(tag) =	ssettag $0x2  }
0xeb: {  	s0 =	rddreg [dreg:$0x0];
	s2 =	stileid.u32  }
0xec: {  	s1 =	rddreg [dreg:$0x1];
	p0 =	sne.s32 s2, $0x0  }
0xed: {  	s3 =	rddreg [dreg:$0x2];
	[bflag:$0x3] =	sbarrier.arrive $0xFFFF;
	s2 =	simm.s32 @!p0 $0x1C09  }
0xee: {  	[timem:s3], [sflag:s2] =	dma.local @!p0 [hbm:s0], s1  }
0xef: {  	s0 =	simm.s32 @!p0 $0x9  }
0xf0: {  	_ =	swait.ge @!p0 [sflag:s0], s1  }
0xf1: {  	s1 =	ssub.s32 @!p0 $0x0, s1;
	[sflag:s0] =	ssyncset.done @!p0 $0x0  }
0xf2: {  	[sflag:s0] =	ssyncadd.s32 @!p0 s1  }
0xf3: {  	[bflag:$0x3] =	sbarrier.arrive $0xFFFF  }
0xf4: {  	_ =	shalt  }

// kernel: sparse-core-data-format-call.cloned.1.call-start
scs
called_computation_lowered:
.L_overlay_start_0:
0x0: {  	s2 =	sld [smem:$0x3FD9]  }
0x1: {  	s3 =	sld [smem:$0x3FFE];
	_ =	sdelay $0x1  }
0x2: {  	s1 =	srdreg.scid  }
0x3: {  	s0 =	sand.u32 $0x1, s1  }
0x4: {  	s18 =	sshll.u32 s0, $0xA;
	s2 =	sadd.s32 s3, s2  }
0x5: {  	s2 =	sadd.s32 s2, s18  }
0x6: {  	[smem:$0x3FC6] =	sst s2  }
0x7: {  	_ = 	snop  }
0x8: {  	s2 =	sld [smem:$0x3FD0];
	(tm) =	ssettm $0x1  }
0x9: {  	s19 =	sld [smem:$0x3FFB];
	_ =	sdelay $0x3  }
0xa: {  	_ =	strace s19  }
0xb: {  	s3 =	sld [smem:$0x3FFC];
	_ =	sdelay $0x3  }
0xc: {  	_ =	strace s3  }
0xd: {  	s3 =	sld [smem:$0x3FFD];
	_ =	sdelay $0x3  }
0xe: {  	_ =	strace s3  }
0xf: {  	_ =	strace $0x8FFFFFFF  }
0x10: {  	s20 =	sld [smem:$0x3FDB];
	_ =	sdelay $0x1  }
0x11: {  	s4 =	simm.s32 $_scs_section_size  }
0x12: {  	s5 =	simm.s32 $_size__tile_overlayer_lowered;
	s6 =	simm.s32 $_tile_overlayer_lowered  }
0x13: {  	s23 =	simm.s32 $0x1BFF;
	s22 =	sshll.u32 s6, $0x1;
	s3 =	sadd.s32 s4, s20  }
0x14: {  	s7 =	simm.s32 $0x0;
	s21 =	sshll.u32 s5, $0x1;
	s5 =	sadd.s32 s22, s3  }
0x15: {  	[timem:s7], [sflag:s23] =	dma.local [hbm:s5], s21  }
0x16: {  	_ =	swait.ge [sflag:s23], s21  }
0x17: {  	s4 =	ssub.s32 $0x0, s21;
	[sflag:s23] =	ssyncset.done $0x0  }
0x18: {  	[sflag:s23] =	ssyncadd.s32 s4;
	_ =	sdelay $0x1  }
0x19: {  	s24 =	simm.s32 $0x1B8B  }
0x1a: {  	_ =	swait.ge [sflag:s24], $0x1  }
0x1b: {  	[sflag:s24] =	ssyncset.done $0x0  }
0x1c: {  	s26 =	simm.s32 $0x1B8E;
	s25 =	sld [smem:$0x3FFE];
	[sflag:s24] =	ssyncadd.s32 $0xFFFFFFFF  }
0x1d: {  	s27 =	simm.s32 $execute0_lowered;
	[smem:$0x3FD2] =	sst s26  }
0x1e: {  	s5 =	sshll.u32 s27, $0x1;
	_ =	strace $0x80000049;
	[dreg:$0x1] =	wrdreg $0xFFFFFFFF  }
0x1f: {  	s28 =	simm.s32 $_size_execute0_lowered;
	s3 =	sadd.s32 s3, s5;
	[dreg:$0x0] =	wrdreg $0x0  }
0x20: {  	s5 =	sshll.u32 s28, $0x1;
	[dreg:$0x2] =	wrdreg s3  }
0x21: {  	[dreg:$0x3] =	wrdreg s5  }
0x22: {  	[dreg:$0x4] =	wrdreg $0xC0  }
0x23: {  	_ =	task [dreg:s7], $0x5FFFF  }
0x24: {  	[dreg:$0x1] =	wrdreg $0xFFFFFFFF  }
0x25: {  	[dreg:$0x0] =	wrdreg $0x60  }
0x26: {  	[dreg:$0x2] =	wrdreg s25  }
0x27: {  	[dreg:$0x3] =	wrdreg s2  }
0x28: {  	[dreg:$0x4] =	wrdreg $0x9  }
0x29: {  	_ =	task.clear_ibuf [dreg:s7], $0x5FFFF;
	_ =	strace $0x90000049  }
0x2a: {  	s29 =	simm.s32 $0x9;
	_ =	strace $0x8000004B  }
0x2b: {  	_ =	swait.ge [sflag:s29], $0x1  }
0x2c: {  	[sflag:s29] =	ssyncadd.s32 $0xFFFFFFFF  }
0x2d: {  	_ =	strace $0x9000004B  }
0x2e: {  	_ =	sfence  }
0x2f: {  	s30 =	sld [smem:$0x0];
	_ =	sdelay $0x2  }
0x30: {  	s31 =	sshll.u32 s1, $0xD;
	s1 =	sshrl.u32 s1, $0x2  }
0x31: {  	s3 =	sand.u32 $0x4000, s31;
	s1 =	sadd.s32 s1, s30  }
0x32: {  	s0 =	sor.u32 s3, s0;
	s1 =	sshll.u32 s1, $0x11  }
0x33: {  	s0 =	sor.u32 s1, s0  }
0x34: {  	s0 =	sadd.s32 $0x8F2B, s0  }
0x35: {  	[sflag:s0] =	ssyncadd.remote.s32 $0x1  }
0x36: {  	_ =	sfence.sel $0xFFFF  }
0x37: {  	[dreg:$0x0] =	wrdreg $0xFFFFFFFF;
	(pc) =	sbr.abs _section_cstart, $3  }
0x38: {  	[dreg:$0x1] =	wrdreg $0xFFFFFFFF  }
0x39: {  	_ =	task.clear_ibuf [dreg:s7], $0x2FFFF;
	_ =	strace $0x9FFFFFFF  }
0x3a: {  	(tm) =	ssettm $0x7FFFFFFF  }
0x3b: {  	_ =	shalt  }
tec
execute0_lowered:
.L_overlay_start_1:
0x0: {  	(tag) =	ssettag $0x1  }
0x1: {  	s0 =	srdreg.scid  }
0x2: {  	s1 =	sshll.u32 s0, $0x4  }
0x3: {  	s0 =	stileid.u32;
	s1 =	sand.u32 $0x10, s1  }
0x4: {  	s1 =	sor.u32 s0, s1  }
0x5: {  	s6 =	rddreg [dreg:$0x0];
	s4 =	simm.s32 $0x1;
	s2 =	sshll.u32 s1, $0x7  }
0x6: {  	s7 =	simm.s32 $0x2;
	s12 =	simm.s32 $0x0;
	s1 =	ssub.s32 $0x1000, s2  }
0x7: {  	s8 =	simm.s32 $0x8000;
	s13 =	simm.s32 $0x0;
	s3 =	sand.u32 $0xF80, s1  }
0x8: {  	s9 =	simm.s32 $0x0;
	s5 =	sshrl.u32 s1, $0xC;
	p0 =	sne.s32 s3, $0x0  }
.Ltmp0:
0x9: {  	s1 =	rddreg [dreg:$0x2];
	s4 =	simm.s32 @!p0 $0x0;
	(pc) =	sbr.rel .LBB1_1-.Ltmp0, $4  }
0xa: {  	s11 =	simm.s32 $0x0;
	s3 =	rddreg [dreg:$0x1];
	s5 =	sadd.s32 s4, s5  }
0xb: {  	_ =	strace $0x8000004A;
	s4 =	simm.s32 $0x1;
	s5 =	smul.u32 $0xC8, s5  }
0xc: {  	s6 =	sadd.s32 $0xA00, s6;
	s10 =	smov.u32 s2;
	[sflag:s4] =	ssyncpa.u1 $0x0  }
0xd: {  	p0 =	por $0x0, $0x0;
	[sflag:s7] =	ssyncpa.u1 $0x0;
	s7 =	sor.u32 $0x1, s5  }
.LBB1_4:
0xe: {  	s16 =	sshll.u32 s13, $0x3;
	s17 =	sand.u32 $0x78, s13  }
0xf: {  	s30 =	sand.u32 $0x7E00, s13;
	s12 =	sshll.u32 s12, $0xF;
	s16 =	sand.u32 $0xC00, s16  }
0x10: {  	[tilespmem:s15+$0x810 ss:$0x81] =	vst.msk $0xffff, v2;
	s31 =	sand.u32 $0x7, s13;
	s16 =	sor.u32 s17, s16;
	s17 =	sadd.s32 s3, s30  }
0x11: {  	[tilespmem:s15+$0x1020 ss:$0x81] =	vst.msk $0xffff, v0;
	s13 =	sshll.u32 s31, $0x12;
	s12 =	sadd.s32 s12, s17;
	s16 =	sshrl.u32 s16, $0x3  }
0x12: {  	[tilespmem:s15+$0x0 ss:$0x81] =	vst.msk $0xffff, v1;
	s13 =	sor.u32 $0x400, s13;
	s12 =	sadd.s32 s16, s12  }
0x13: {  	[hbm4b:s12+s13] =	stream.strided.scatter [tilespmem:s14], [sflag:$0x2], $0x2000, s8, s13, $0x20;
	[tilespmem:$0x8080] =	vst v63  }
.LBB1_5:
0x14: {  	s14 =	sadd.s32 $0x1, s9  }
0x15: {  	s12 =	sadd.s32 $0x1000, s10;
	s16 =	smov.u32 s10;
	p2 =	sgt.s32 s14, $0xC7  }
0x16: {  	s16 =	smov.u32 @p2 s12  }
0x17: {  	s14 =	simm.s32 @p2 $0x0;
	p2 =	sgt.s32 s16, $0xFFF  }
0x18: {  	s16 =	smov.u32 @p2 s2;
	p2 =	sne.s32 s11, s7  }
.Ltmp1:
0x19: {  	p1 =	slt.u32 s11, $0x2;
	(pc) =	sbr.rel @!p2 .LBB1_6-.Ltmp1, $4  }
0x1a: {  	s15 =	simm.s32 @!p1 $0x2  }
0x1b: {  	s13 =	smov.u32 s10;
	p0 =	por !p0, !p0;
	_ =	swait.ge @!p1 [sflag:s15], $0x2000  }
0x1c: {  	s12 =	smov.u32 s9;
	[sflag:s15] =	ssyncset.done @!p1 $0x0;
	s9 =	smov.u32 s14  }
0x1d: {  	s11 =	sadd.s32 $0x1, s11;
	[sflag:s15] =	ssyncadd.s32 @!p1 $0xFFFFE000;
	s10 =	smov.u32 s16  }
.LBB1_1:
0x1e: {  	p1 =	sge.u32 s11, s5  }
0x1f: {  	s14 =	sand.u32 @!p1 $0x1FFFFFF, s9  }
0x20: {  	s15 =	smulhi.u32 @!p1 $0x147AE15, s14;
	_ =	sdelay $0x1  }
0x21: {  	s15 =	smul.u32 @!p1 $0xC8, s15  }
0x22: {  	s16 =	sxor.u32 @!p1 $0xFFFFFFFF, s11;
	s17 =	smul.u32 @!p1 $0xC80, s10  }
0x23: {  	s31 =	sadd.s32 $0xFFFFFFFF, s11;
	s16 =	sshll.u32 @!p1 s16, $0xD;
	s14 =	ssub.s32 @!p1 s14, s15  }
0x24: {  	s15 =	sand.u32 @!p1 $0x2000, s16;
	s16 =	sadd.s32 @!p1 s6, s17;
	s14 =	sshll.u32 @!p1 s14, $0x4  }
0x25: {  	s17 =	simm.s32 @!p1 $0x6400;
	s14 =	sadd.s32 @!p1 s14, s16;
	s16 =	simm.s32 @!p1 $0x40  }
0x26: {  	[tilespmem:s15], [sflag:$0x1] =	stream.strided.gather @!p1 [hbm4b:s14+s16], $0x2000, s17, s16, $0x38;
	[tilespmem:$0x8080] =	vst v63  }
0x27: {  	p1 =	sge.u32 s31, s5  }
.Ltmp2:
0x28: {  	_ = 	snop;
	(pc) =	sbr.rel @p1 .LBB1_5-.Ltmp2, $1  }
0x29: {  	_ =	sdelay $0x3  }
0x2a: {  	s14 =	simm.s32 $0x1  }
0x2b: {  	_ =	swait.ge [sflag:s4], $0x2000;
	s14 =	simm.s32 @!p0 $0x0  }
0x2c: {  	[sflag:s4] =	ssyncset.done $0x0;
	s15 =	sshll.u32 s14, $0xD  }
0x2d: {  	[sflag:s4] =	ssyncadd.s32 $0xFFFFE000;
	s18 =	sor.u32 $0x20, s15  }
0x2e: {  	s14 =	smul.u32 $0x8100, s14;
	v3 =	vld [tilespmem:s18+$0x10]  }
0x2f: {  	s30 =	sand.u32 $0x1, s11;
	v2 =	vld [tilespmem:s18+$0xFFFFFFF0]  }
0x30: {  	s15 =	smul.u32 $0x8100, s30;
	s14 =	sshrl.u32 s14, $0x2;
	v0 =	vld [tilespmem:s18+$0x0]  }
0x31: {  	v1 =	vld [tilespmem:s18+$0xFFFFFFE0];
	s16 =	sor.u32 $0x4000, s14  }
0x32: {  	s31 =	sshrl.u32 s15, $0x2;
	s15 =	sadd.s32 $0x0, s16  }
0x33: {  	s17 =	simm.s32 $0x4;
	s18 =	sadd.s32 $0x40, s18;
	s14 =	sor.u32 $0x4000, s31;
	[tilespmem:s15+$0x1830 ss:$0x81] =	vst.msk $0xffff, v3  }
.LBB1_3:
0x34: {  	v3 =	vld [tilespmem:s18+$0x10];
	p1 =	sne.s32 s17, $0x1FC;
	[tilespmem:s15+$0x810 ss:$0x81] =	vst.msk $0xffff, v2;
	s19 =	smov.u32 s17;
	s17 =	sadd.s32 $0x4, s17  }
.Ltmp3:
0x35: {  	v2 =	vld [tilespmem:s18+$0xFFFFFFF0];
	[tilespmem:s15+$0x1020 ss:$0x81] =	vst.msk $0xffff, v0;
	(pc) =	sbr.rel @p1 .LBB1_3-.Ltmp3, $4  }
0x36: {  	v0 =	vld [tilespmem:s18+$0x0];
	[tilespmem:s15+$0x0 ss:$0x81] =	vst.msk $0xffff, v1  }
0x37: {  	s15 =	sshra.s32 s19, $0x2;
	v1 =	vld [tilespmem:s18+$0xFFFFFFE0]  }
0x38: {  	s15 =	sadd.s32 s15, s16  }
0x39: {  	s18 =	sadd.s32 $0x40, s18;
	[tilespmem:s15+$0x1830 ss:$0x81] =	vst.msk $0xffff, v3  }
.Ltmp4:
0x3a: {  	_ = 	snop;
	(pc) =	sbr.rel .LBB1_4-.Ltmp4, $1  }
0x3b: {  	_ =	sdelay $0x3  }
.LBB1_6:
0x3c: {  	_ =	sfence.sel $0x180000  }
0x3d: {  	s2 =	simm.s32 $0x1;
	[bflag:$0x0] =	sbarrier.arrive $0xFFFF  }
0x3e: {  	s31 =	simm.s32 $0x2;
	[sflag:s2] =	ssyncpa.u1 $0x1  }
0x3f: {  	[sflag:s31] =	ssyncpa.u1 $0x1  }
0x40: {  	p0 =	sne.s32 s0, $0x0;
	_ =	strace $0x9000004A  }
0x41: {  	s0 =	sadd.s32 @!p0 $0x100000, s1;
	[bflag:$0x2] =	sbarrier.arrive $0xFFFF  }
0x42: {  	[sflag:s0] =	ssyncadd.tile.s32 @!p0 $0x1;
	_ =	shalt  }
.Lfunc_end1:
_tile_overlayer_lowered:
.L_overlay_start_2:
0x43: {  	(tag) =	ssettag $0x2  }
0x44: {  	s0 =	rddreg [dreg:$0x0];
	s2 =	stileid.u32  }
0x45: {  	s1 =	rddreg [dreg:$0x1];
	p0 =	sne.s32 s2, $0x0  }
0x46: {  	s3 =	rddreg [dreg:$0x2];
	[bflag:$0x3] =	sbarrier.arrive $0xFFFF;
	s2 =	simm.s32 @!p0 $0x1C01  }
0x47: {  	[timem:s3], [sflag:s2] =	dma.local @!p0 [hbm:s0], s1  }
0x48: {  	s0 =	simm.s32 @!p0 $0x1  }
0x49: {  	_ =	swait.ge @!p0 [sflag:s0], s1  }
0x4a: {  	s1 =	ssub.s32 @!p0 $0x0, s1;
	[sflag:s0] =	ssyncset.done @!p0 $0x0  }
0x4b: {  	[sflag:s0] =	ssyncadd.s32 @!p0 s1  }
0x4c: {  	[bflag:$0x3] =	sbarrier.arrive $0xFFFF  }
0x4d: {  	_ =	shalt  }

</sc_bundles>
